<compile_context>
chip_gen: v7x
topology: tpu7x:2x2x1
jax: 0.10.2.dev20260603
libtpu: 0.0.44.dev20260713+nightly
codegen_flags: <defaults>
</compile_context>

<pallas_src>
import functools

import jax
import jax.numpy as jnp
from jax import lax
from jax.experimental import pallas as pl
from jax.experimental.pallas import tpu as pltpu
from jax.experimental.pallas import tpu_sc as plsc

_B = 4096
_H = 200
_D = 64
_O = 5

_CHUNK_BOUNDS = (0, 104, 200)
_CHUNKS_PER_ROW = len(_CHUNK_BOUNDS) - 1

_NBUF = 4


def _sc_pool(idx2, embed_table):
  info = plsc.get_sparse_core_info()
  nc, ns = info.num_cores, info.num_subcores
  nw = nc * ns
  b_per_w = _B // nw

  mesh = plsc.VectorSubcoreMesh(core_axis_name="c", subcore_axis_name="s")

  @functools.partial(
      pl.kernel,
      out_type=jax.ShapeDtypeStruct((_B, _D), jnp.float32),
      mesh=mesh,
      scratch_types=[
          pltpu.VMEM((b_per_w, _H), jnp.int32),
          pltpu.VMEM((_NBUF, _H, _D), jnp.float32),
          pltpu.VMEM((b_per_w, _D), jnp.float32),
      ] + [pltpu.SemaphoreType.DMA] * _NBUF,
      compiler_params=pltpu.CompilerParams(use_tc_tiling_on_sc=False),
  )
  def k(idx_hbm, table_hbm, out_hbm, idx_v, rows_v, pooled_v, *sems):
    wid = lax.axis_index("s") * nc + lax.axis_index("c")
    base = wid * b_per_w
    pltpu.sync_copy(idx_hbm.at[pl.ds(base, b_per_w)], idx_v)

    zero = jnp.zeros((16,), jnp.float32)

    def gather_descs(row, nb):
      return [
          pltpu.make_async_copy(
              table_hbm.at[idx_v.at[row, pl.ds(lo, hi - lo)]],
              rows_v.at[nb, pl.ds(lo, hi - lo)],
              sems[nb],
          )
          for lo, hi in zip(_CHUNK_BOUNDS[:-1], _CHUNK_BOUNDS[1:])
      ]

    def pool_row(row, nb):
      @pl.loop(0, _H, init_carry=(zero, zero, zero, zero), unroll=8)
      def acc_loop(r, carry):
        a0, a1, a2, a3 = carry
        a0 = a0 + rows_v[nb, r, pl.ds(0, 16)]
        a1 = a1 + rows_v[nb, r, pl.ds(16, 16)]
        a2 = a2 + rows_v[nb, r, pl.ds(32, 16)]
        a3 = a3 + rows_v[nb, r, pl.ds(48, 16)]
        return a0, a1, a2, a3

      a0, a1, a2, a3 = acc_loop
      pooled_v[row, pl.ds(0, 16)] = a0
      pooled_v[row, pl.ds(16, 16)] = a1
      pooled_v[row, pl.ds(32, 16)] = a2
      pooled_v[row, pl.ds(48, 16)] = a3

    for nb in range(_NBUF):
      for d in gather_descs(nb, nb):
        d.start()

    @pl.loop(0, b_per_w, step=_NBUF)
    def _(i):
      for nb in range(_NBUF):
        row = i + nb
        for d in gather_descs(row, nb):
          d.wait()
        pool_row(row, nb)

        @pl.when(row + _NBUF < b_per_w)
        def _():
          for d in gather_descs(row + _NBUF, nb):
            d.start()

    pltpu.sync_copy(pooled_v, out_hbm.at[pl.ds(base, b_per_w)])

  return k(idx2, embed_table)


def _tc_linear(pooled, bias2, W, b2):

  def body(pooled_ref, bias_ref, w_ref, b_ref, out_ref):
    x = pooled_ref[...] + bias_ref[...]
    out_ref[...] = (
        jnp.dot(x, w_ref[...], preferred_element_type=jnp.float32)
        + b_ref[...]
    )

  return pl.pallas_call(
      body,
      out_shape=jax.ShapeDtypeStruct((_B, _O), jnp.float32),
  )(pooled, bias2, W, b2)


def kernel(inputs, embed_table, bias, W, b):
  pooled = _sc_pool(inputs.astype(jnp.int32), embed_table)
  return _tc_linear(pooled, bias.reshape(1, _D), W, b.reshape(1, _O))

# --- scband reference (transcript-rebuilt; emitter-appended) ---
"""Pipeline reference for scband-bow-8778913153048 (READ-ONLY COPY).

The authoritative reference and input builder live on the scoring server;
editing this copy changes nothing except your own understanding.
"""

import jax, jax.numpy as jnp
import numpy as np

VOCAB = 1000000
EMBED_DIM = 64
OUT_DIM = 5
BATCH = 4096
HIST = 200

def setup_inputs(seed: int = 0) -> dict:
    key = jax.random.key(seed)
    k1, k2, k3, k4, k5 = jax.random.split(key, 5)
    inputs = jax.random.randint(k1, (BATCH, HIST), 0, VOCAB, dtype=jnp.int64 if jax.config.read('jax_enable_x64') else jnp.int32)
    embed_table = jax.random.normal(k2, (VOCAB, EMBED_DIM), dtype=jnp.float32) * 0.02
    bias = jnp.zeros((EMBED_DIM,), dtype=jnp.float32)
    W = jax.random.normal(k3, (EMBED_DIM, OUT_DIM), dtype=jnp.float32) * (1.0 / np.sqrt(EMBED_DIM))
    b = jax.random.normal(k4, (OUT_DIM,), dtype=jnp.float32) * 0.01
    return {"inputs": inputs, "embed_table": embed_table, "bias": bias, "W": W, "b": b}

def reference(inputs, embed_table, bias, W, b):
    # embeds = self.embed(inputs)  -> gather rows
    embeds = jnp.take(embed_table, inputs, axis=0)          # [B, L, D]
    # logits = embeds.sum(1) + self.bias
    logits = embeds.sum(axis=1) + bias                       # [B, D]
    # logits = self.linear(logits)
    logits = logits @ W + b                                  # [B, OUT]
    return logits

if __name__ == "__main__":
    import jax
    _d = setup_inputs()
    print(jax.jit(kernel)(*tuple(_d.values())))

</pallas_src>

<mosaic_0001>
#map = affine_map<(d0, d1) -> (0, 0)>
module attributes {stable_mosaic.version = 14 : i64} {
  func.func @k(%arg0: i32, %arg1: i32, %arg2: memref<4096x200xi32, #tpu.memory_space<hbm>>, %arg3: memref<1000000x64xf32, #tpu.memory_space<hbm>>, %arg4: memref<4096x64xf32, #tpu.memory_space<hbm>>, %arg5: memref<128x200xi32, #tpu.memory_space<vmem>>, %arg6: memref<4x200x64xf32, #tpu.memory_space<vmem>>, %arg7: memref<128x64xf32, #tpu.memory_space<vmem>>, %arg8: memref<!tpu.dma_semaphore, #tpu.memory_space<semaphore_mem>>, %arg9: memref<!tpu.dma_semaphore, #tpu.memory_space<semaphore_mem>>, %arg10: memref<!tpu.dma_semaphore, #tpu.memory_space<semaphore_mem>>, %arg11: memref<!tpu.dma_semaphore, #tpu.memory_space<semaphore_mem>>) attributes {dimension_semantics = [#tpu.dimension_semantics<core_parallel>, #tpu.dimension_semantics<subcore_parallel>], iteration_bounds = array<i64: 2, 16>, scalar_prefetch = 0 : i64, scratch_operands = 7 : i64, tpu.core_type = #tpu.core_type<sc_vector_subcore>, window_params = [{transform_indices = #map}, {transform_indices = #map}, {transform_indices = #map}]} {
    %mul3A = arith.constant 2 : i32
    %mul3A_0 = arith.muli %arg1, %mul3A : i32
    %add3A = arith.addi %mul3A_0, %arg0 : i32
    %mul3A_1 = arith.constant 128 : i32
    %mul3A_2 = arith.muli %add3A, %mul3A_1 : i32
    "tpu.region"() ({
      %run_scoped3A = tpu.sem_alloc : memref<!tpu.dma_semaphore, #tpu.memory_space<semaphore_mem>>
      %dma_start3A_103 = arith.constant 0 : i32
      %dma_start3A_104 = tpu.memref_slice %arg2[%mul3A_2, %dma_start3A_103] : memref<4096x200xi32, #tpu.memory_space<hbm>> -> memref<128x200xi32, #tpu.memory_space<hbm>>
      %dma_start3A_105 = arith.constant 0 : i32
      %dma_start3A_106 = tpu.memref_slice %arg2[%mul3A_2, %dma_start3A_105] : memref<4096x200xi32, #tpu.memory_space<hbm>> -> memref<128x200xi32, #tpu.memory_space<hbm>>
      tpu.enqueue_dma source(%dma_start3A_106 : memref<128x200xi32, #tpu.memory_space<hbm>>) target(%arg5 : memref<128x200xi32, #tpu.memory_space<vmem>>) target_semaphore(%run_scoped3A : memref<!tpu.dma_semaphore, #tpu.memory_space<semaphore_mem>>)
      %dma_wait3A = arith.constant 0 : i32
      %dma_wait3A_107 = tpu.memref_slice %arg2[%mul3A_2, %dma_wait3A] : memref<4096x200xi32, #tpu.memory_space<hbm>> -> memref<128x200xi32, #tpu.memory_space<hbm>>
      %dma_wait3A_108 = arith.constant 0 : i32
      %dma_wait3A_109 = tpu.memref_slice %arg2[%mul3A_2, %dma_wait3A_108] : memref<4096x200xi32, #tpu.memory_space<hbm>> -> memref<128x200xi32, #tpu.memory_space<hbm>>
      tpu.wait_dma2 semaphore(%run_scoped3A : memref<!tpu.dma_semaphore, #tpu.memory_space<semaphore_mem>>) src(%dma_wait3A_109 : memref<128x200xi32, #tpu.memory_space<hbm>>) dst(%arg5 : memref<128x200xi32, #tpu.memory_space<vmem>>)
      tpu.yield
    }) : () -> ()
    %broadcast_in_dim3A = arith.constant 0.000000e+00 : f32
    %broadcast_in_dim3A_3 = vector.broadcast %broadcast_in_dim3A : f32 to vector<16xf32>
    %dma_start3A = arith.constant 0 : i32
    %dma_start3A_4 = arith.constant 0 : i32
    %dma_start3A_5 = arith.constant 0 : i32
    %dma_start3A_6 = arith.constant 0 : i32
    %dma_start3A_7 = tpu.memref_slice %arg6[%dma_start3A_4, %dma_start3A_5, %dma_start3A_6] : memref<4x200x64xf32, #tpu.memory_space<vmem>> -> memref<1x104x64xf32, #tpu.memory_space<vmem>>
    %dma_start3A_8 = tpu.memref_squeeze %dma_start3A_7 : memref<1x104x64xf32, #tpu.memory_space<vmem>> -> memref<104x64xf32, #tpu.memory_space<vmem>>
    %dma_start3A_9 = arith.constant 0 : i32
    %dma_start3A_10 = tpu.memref_slice %arg5[%dma_start3A, %dma_start3A_9] : memref<128x200xi32, #tpu.memory_space<vmem>> -> memref<1x104xi32, #tpu.memory_space<vmem>>
    %dma_start3A_11 = tpu.memref_squeeze %dma_start3A_10 : memref<1x104xi32, #tpu.memory_space<vmem>> -> memref<104xi32, #tpu.memory_space<vmem>>
    %dma_start3A_12 = arith.constant 0 : i32
    %dma_start3A_13 = arith.constant 0 : i32
    %dma_start3A_14 = tpu.memref_slice %arg3[%dma_start3A_12, %dma_start3A_13] : memref<1000000x64xf32, #tpu.memory_space<hbm>> -> memref<1000000x64xf32, #tpu.memory_space<hbm>>
    tpu.enqueue_indirect_dma source(%dma_start3A_14 : memref<1000000x64xf32, #tpu.memory_space<hbm>>) target(%dma_start3A_8 : memref<104x64xf32, #tpu.memory_space<vmem>>) offsets(%dma_start3A_11 : memref<104xi32, #tpu.memory_space<vmem>>) semaphore(%arg8 : memref<!tpu.dma_semaphore, #tpu.memory_space<semaphore_mem>>)
    %dma_start3A_15 = arith.constant 0 : i32
    %dma_start3A_16 = arith.constant 0 : i32
    %dma_start3A_17 = arith.constant 104 : i32
    %dma_start3A_18 = arith.constant 0 : i32
    %dma_start3A_19 = tpu.memref_slice %arg6[%dma_start3A_16, %dma_start3A_17, %dma_start3A_18] : memref<4x200x64xf32, #tpu.memory_space<vmem>> -> memref<1x96x64xf32, #tpu.memory_space<vmem>>
    %dma_start3A_20 = tpu.memref_squeeze %dma_start3A_19 : memref<1x96x64xf32, #tpu.memory_space<vmem>> -> memref<96x64xf32, #tpu.memory_space<vmem>>
    %dma_start3A_21 = arith.constant 104 : i32
    %dma_start3A_22 = tpu.memref_slice %arg5[%dma_start3A_15, %dma_start3A_21] : memref<128x200xi32, #tpu.memory_space<vmem>> -> memref<1x96xi32, #tpu.memory_space<vmem>>
    %dma_start3A_23 = tpu.memref_squeeze %dma_start3A_22 : memref<1x96xi32, #tpu.memory_space<vmem>> -> memref<96xi32, #tpu.memory_space<vmem>>
    %dma_start3A_24 = arith.constant 0 : i32
    %dma_start3A_25 = arith.constant 0 : i32
    %dma_start3A_26 = tpu.memref_slice %arg3[%dma_start3A_24, %dma_start3A_25] : memref<1000000x64xf32, #tpu.memory_space<hbm>> -> memref<1000000x64xf32, #tpu.memory_space<hbm>>
    tpu.enqueue_indirect_dma source(%dma_start3A_26 : memref<1000000x64xf32, #tpu.memory_space<hbm>>) target(%dma_start3A_20 : memref<96x64xf32, #tpu.memory_space<vmem>>) offsets(%dma_start3A_23 : memref<96xi32, #tpu.memory_space<vmem>>) semaphore(%arg8 : memref<!tpu.dma_semaphore, #tpu.memory_space<semaphore_mem>>)
    %dma_start3A_27 = arith.constant 1 : i32
    %dma_start3A_28 = arith.constant 1 : i32
    %dma_start3A_29 = arith.constant 0 : i32
    %dma_start3A_30 = arith.constant 0 : i32
    %dma_start3A_31 = tpu.memref_slice %arg6[%dma_start3A_28, %dma_start3A_29, %dma_start3A_30] : memref<4x200x64xf32, #tpu.memory_space<vmem>> -> memref<1x104x64xf32, #tpu.memory_space<vmem>>
    %dma_start3A_32 = tpu.memref_squeeze %dma_start3A_31 : memref<1x104x64xf32, #tpu.memory_space<vmem>> -> memref<104x64xf32, #tpu.memory_space<vmem>>
    %dma_start3A_33 = arith.constant 0 : i32
    %dma_start3A_34 = tpu.memref_slice %arg5[%dma_start3A_27, %dma_start3A_33] : memref<128x200xi32, #tpu.memory_space<vmem>> -> memref<1x104xi32, #tpu.memory_space<vmem>>
    %dma_start3A_35 = tpu.memref_squeeze %dma_start3A_34 : memref<1x104xi32, #tpu.memory_space<vmem>> -> memref<104xi32, #tpu.memory_space<vmem>>
    %dma_start3A_36 = arith.constant 0 : i32
    %dma_start3A_37 = arith.constant 0 : i32
    %dma_start3A_38 = tpu.memref_slice %arg3[%dma_start3A_36, %dma_start3A_37] : memref<1000000x64xf32, #tpu.memory_space<hbm>> -> memref<1000000x64xf32, #tpu.memory_space<hbm>>
    tpu.enqueue_indirect_dma source(%dma_start3A_38 : memref<1000000x64xf32, #tpu.memory_space<hbm>>) target(%dma_start3A_32 : memref<104x64xf32, #tpu.memory_space<vmem>>) offsets(%dma_start3A_35 : memref<104xi32, #tpu.memory_space<vmem>>) semaphore(%arg9 : memref<!tpu.dma_semaphore, #tpu.memory_space<semaphore_mem>>)
    %dma_start3A_39 = arith.constant 1 : i32
    %dma_start3A_40 = arith.constant 1 : i32
    %dma_start3A_41 = arith.constant 104 : i32
    %dma_start3A_42 = arith.constant 0 : i32
    %dma_start3A_43 = tpu.memref_slice %arg6[%dma_start3A_40, %dma_start3A_41, %dma_start3A_42] : memref<4x200x64xf32, #tpu.memory_space<vmem>> -> memref<1x96x64xf32, #tpu.memory_space<vmem>>
    %dma_start3A_44 = tpu.memref_squeeze %dma_start3A_43 : memref<1x96x64xf32, #tpu.memory_space<vmem>> -> memref<96x64xf32, #tpu.memory_space<vmem>>
    %dma_start3A_45 = arith.constant 104 : i32
    %dma_start3A_46 = tpu.memref_slice %arg5[%dma_start3A_39, %dma_start3A_45] : memref<128x200xi32, #tpu.memory_space<vmem>> -> memref<1x96xi32, #tpu.memory_space<vmem>>
    %dma_start3A_47 = tpu.memref_squeeze %dma_start3A_46 : memref<1x96xi32, #tpu.memory_space<vmem>> -> memref<96xi32, #tpu.memory_space<vmem>>
    %dma_start3A_48 = arith.constant 0 : i32
    %dma_start3A_49 = arith.constant 0 : i32
    %dma_start3A_50 = tpu.memref_slice %arg3[%dma_start3A_48, %dma_start3A_49] : memref<1000000x64xf32, #tpu.memory_space<hbm>> -> memref<1000000x64xf32, #tpu.memory_space<hbm>>
    tpu.enqueue_indirect_dma source(%dma_start3A_50 : memref<1000000x64xf32, #tpu.memory_space<hbm>>) target(%dma_start3A_44 : memref<96x64xf32, #tpu.memory_space<vmem>>) offsets(%dma_start3A_47 : memref<96xi32, #tpu.memory_space<vmem>>) semaphore(%arg9 : memref<!tpu.dma_semaphore, #tpu.memory_space<semaphore_mem>>)
    %dma_start3A_51 = arith.constant 2 : i32
    %dma_start3A_52 = arith.constant 2 : i32
    %dma_start3A_53 = arith.constant 0 : i32
    %dma_start3A_54 = arith.constant 0 : i32
    %dma_start3A_55 = tpu.memref_slice %arg6[%dma_start3A_52, %dma_start3A_53, %dma_start3A_54] : memref<4x200x64xf32, #tpu.memory_space<vmem>> -> memref<1x104x64xf32, #tpu.memory_space<vmem>>
    %dma_start3A_56 = tpu.memref_squeeze %dma_start3A_55 : memref<1x104x64xf32, #tpu.memory_space<vmem>> -> memref<104x64xf32, #tpu.memory_space<vmem>>
    %dma_start3A_57 = arith.constant 0 : i32
    %dma_start3A_58 = tpu.memref_slice %arg5[%dma_start3A_51, %dma_start3A_57] : memref<128x200xi32, #tpu.memory_space<vmem>> -> memref<1x104xi32, #tpu.memory_space<vmem>>
    %dma_start3A_59 = tpu.memref_squeeze %dma_start3A_58 : memref<1x104xi32, #tpu.memory_space<vmem>> -> memref<104xi32, #tpu.memory_space<vmem>>
    %dma_start3A_60 = arith.constant 0 : i32
    %dma_start3A_61 = arith.constant 0 : i32
    %dma_start3A_62 = tpu.memref_slice %arg3[%dma_start3A_60, %dma_start3A_61] : memref<1000000x64xf32, #tpu.memory_space<hbm>> -> memref<1000000x64xf32, #tpu.memory_space<hbm>>
    tpu.enqueue_indirect_dma source(%dma_start3A_62 : memref<1000000x64xf32, #tpu.memory_space<hbm>>) target(%dma_start3A_56 : memref<104x64xf32, #tpu.memory_space<vmem>>) offsets(%dma_start3A_59 : memref<104xi32, #tpu.memory_space<vmem>>) semaphore(%arg10 : memref<!tpu.dma_semaphore, #tpu.memory_space<semaphore_mem>>)
    %dma_start3A_63 = arith.constant 2 : i32
    %dma_start3A_64 = arith.constant 2 : i32
    %dma_start3A_65 = arith.constant 104 : i32
    %dma_start3A_66 = arith.constant 0 : i32
    %dma_start3A_67 = tpu.memref_slice %arg6[%dma_start3A_64, %dma_start3A_65, %dma_start3A_66] : memref<4x200x64xf32, #tpu.memory_space<vmem>> -> memref<1x96x64xf32, #tpu.memory_space<vmem>>
    %dma_start3A_68 = tpu.memref_squeeze %dma_start3A_67 : memref<1x96x64xf32, #tpu.memory_space<vmem>> -> memref<96x64xf32, #tpu.memory_space<vmem>>
    %dma_start3A_69 = arith.constant 104 : i32
    %dma_start3A_70 = tpu.memref_slice %arg5[%dma_start3A_63, %dma_start3A_69] : memref<128x200xi32, #tpu.memory_space<vmem>> -> memref<1x96xi32, #tpu.memory_space<vmem>>
    %dma_start3A_71 = tpu.memref_squeeze %dma_start3A_70 : memref<1x96xi32, #tpu.memory_space<vmem>> -> memref<96xi32, #tpu.memory_space<vmem>>
    %dma_start3A_72 = arith.constant 0 : i32
    %dma_start3A_73 = arith.constant 0 : i32
    %dma_start3A_74 = tpu.memref_slice %arg3[%dma_start3A_72, %dma_start3A_73] : memref<1000000x64xf32, #tpu.memory_space<hbm>> -> memref<1000000x64xf32, #tpu.memory_space<hbm>>
    tpu.enqueue_indirect_dma source(%dma_start3A_74 : memref<1000000x64xf32, #tpu.memory_space<hbm>>) target(%dma_start3A_68 : memref<96x64xf32, #tpu.memory_space<vmem>>) offsets(%dma_start3A_71 : memref<96xi32, #tpu.memory_space<vmem>>) semaphore(%arg10 : memref<!tpu.dma_semaphore, #tpu.memory_space<semaphore_mem>>)
    %dma_start3A_75 = arith.constant 3 : i32
    %dma_start3A_76 = arith.constant 3 : i32
    %dma_start3A_77 = arith.constant 0 : i32
    %dma_start3A_78 = arith.constant 0 : i32
    %dma_start3A_79 = tpu.memref_slice %arg6[%dma_start3A_76, %dma_start3A_77, %dma_start3A_78] : memref<4x200x64xf32, #tpu.memory_space<vmem>> -> memref<1x104x64xf32, #tpu.memory_space<vmem>>
    %dma_start3A_80 = tpu.memref_squeeze %dma_start3A_79 : memref<1x104x64xf32, #tpu.memory_space<vmem>> -> memref<104x64xf32, #tpu.memory_space<vmem>>
    %dma_start3A_81 = arith.constant 0 : i32
    %dma_start3A_82 = tpu.memref_slice %arg5[%dma_start3A_75, %dma_start3A_81] : memref<128x200xi32, #tpu.memory_space<vmem>> -> memref<1x104xi32, #tpu.memory_space<vmem>>
    %dma_start3A_83 = tpu.memref_squeeze %dma_start3A_82 : memref<1x104xi32, #tpu.memory_space<vmem>> -> memref<104xi32, #tpu.memory_space<vmem>>
    %dma_start3A_84 = arith.constant 0 : i32
    %dma_start3A_85 = arith.constant 0 : i32
    %dma_start3A_86 = tpu.memref_slice %arg3[%dma_start3A_84, %dma_start3A_85] : memref<1000000x64xf32, #tpu.memory_space<hbm>> -> memref<1000000x64xf32, #tpu.memory_space<hbm>>
    tpu.enqueue_indirect_dma source(%dma_start3A_86 : memref<1000000x64xf32, #tpu.memory_space<hbm>>) target(%dma_start3A_80 : memref<104x64xf32, #tpu.memory_space<vmem>>) offsets(%dma_start3A_83 : memref<104xi32, #tpu.memory_space<vmem>>) semaphore(%arg11 : memref<!tpu.dma_semaphore, #tpu.memory_space<semaphore_mem>>)
    %dma_start3A_87 = arith.constant 3 : i32
    %dma_start3A_88 = arith.constant 3 : i32
    %dma_start3A_89 = arith.constant 104 : i32
    %dma_start3A_90 = arith.constant 0 : i32
    %dma_start3A_91 = tpu.memref_slice %arg6[%dma_start3A_88, %dma_start3A_89, %dma_start3A_90] : memref<4x200x64xf32, #tpu.memory_space<vmem>> -> memref<1x96x64xf32, #tpu.memory_space<vmem>>
    %dma_start3A_92 = tpu.memref_squeeze %dma_start3A_91 : memref<1x96x64xf32, #tpu.memory_space<vmem>> -> memref<96x64xf32, #tpu.memory_space<vmem>>
    %dma_start3A_93 = arith.constant 104 : i32
    %dma_start3A_94 = tpu.memref_slice %arg5[%dma_start3A_87, %dma_start3A_93] : memref<128x200xi32, #tpu.memory_space<vmem>> -> memref<1x96xi32, #tpu.memory_space<vmem>>
    %dma_start3A_95 = tpu.memref_squeeze %dma_start3A_94 : memref<1x96xi32, #tpu.memory_space<vmem>> -> memref<96xi32, #tpu.memory_space<vmem>>
    %dma_start3A_96 = arith.constant 0 : i32
    %dma_start3A_97 = arith.constant 0 : i32
    %dma_start3A_98 = tpu.memref_slice %arg3[%dma_start3A_96, %dma_start3A_97] : memref<1000000x64xf32, #tpu.memory_space<hbm>> -> memref<1000000x64xf32, #tpu.memory_space<hbm>>
    tpu.enqueue_indirect_dma source(%dma_start3A_98 : memref<1000000x64xf32, #tpu.memory_space<hbm>>) target(%dma_start3A_92 : memref<96x64xf32, #tpu.memory_space<vmem>>) offsets(%dma_start3A_95 : memref<96xi32, #tpu.memory_space<vmem>>) semaphore(%arg11 : memref<!tpu.dma_semaphore, #tpu.memory_space<semaphore_mem>>)
    %scan3A = arith.constant 0 : i32
    %scan3A_99 = arith.constant 32 : i32
    %scan3A_100 = arith.addi %scan3A, %scan3A_99 : i32
    %scan3A_101 = arith.constant 1 : i32
    scf.for %scan3A_103 = %scan3A to %scan3A_100 step %scan3A_101  : i32 {
      %mul3A_104 = arith.constant 4 : i32
      %mul3A_105 = arith.muli %scan3A_103, %mul3A_104 : i32
      %add3A_106 = arith.constant 0 : i32
      %add3A_107 = arith.addi %add3A_106, %mul3A_105 : i32
      %add3A_108 = arith.constant 0 : i32
      %add3A_109 = arith.addi %add3A_107, %add3A_108 : i32
      %dma_wait3A = arith.constant 0 : i32
      %dma_wait3A_110 = arith.constant 0 : i32
      %dma_wait3A_111 = arith.constant 0 : i32
      %dma_wait3A_112 = tpu.memref_slice %arg6[%dma_wait3A, %dma_wait3A_110, %dma_wait3A_111] : memref<4x200x64xf32, #tpu.memory_space<vmem>> -> memref<1x104x64xf32, #tpu.memory_space<vmem>>
      %dma_wait3A_113 = tpu.memref_squeeze %dma_wait3A_112 : memref<1x104x64xf32, #tpu.memory_space<vmem>> -> memref<104x64xf32, #tpu.memory_space<vmem>>
      %dma_wait3A_114 = arith.constant 0 : i32
      %dma_wait3A_115 = tpu.memref_slice %arg5[%add3A_109, %dma_wait3A_114] : memref<128x200xi32, #tpu.memory_space<vmem>> -> memref<1x104xi32, #tpu.memory_space<vmem>>
      %dma_wait3A_116 = tpu.memref_squeeze %dma_wait3A_115 : memref<1x104xi32, #tpu.memory_space<vmem>> -> memref<104xi32, #tpu.memory_space<vmem>>
      %dma_wait3A_117 = arith.constant 0 : i32
      %dma_wait3A_118 = arith.constant 0 : i32
      %dma_wait3A_119 = tpu.memref_slice %arg3[%dma_wait3A_117, %dma_wait3A_118] : memref<1000000x64xf32, #tpu.memory_space<hbm>> -> memref<1000000x64xf32, #tpu.memory_space<hbm>>
      tpu.wait_indirect_dma semaphore(%arg8 : memref<!tpu.dma_semaphore, #tpu.memory_space<semaphore_mem>>) src(%dma_wait3A_119 : memref<1000000x64xf32, #tpu.memory_space<hbm>>) dst(%dma_wait3A_113 : memref<104x64xf32, #tpu.memory_space<vmem>>)
      %dma_wait3A_120 = arith.constant 0 : i32
      %dma_wait3A_121 = arith.constant 104 : i32
      %dma_wait3A_122 = arith.constant 0 : i32
      %dma_wait3A_123 = tpu.memref_slice %arg6[%dma_wait3A_120, %dma_wait3A_121, %dma_wait3A_122] : memref<4x200x64xf32, #tpu.memory_space<vmem>> -> memref<1x96x64xf32, #tpu.memory_space<vmem>>
      %dma_wait3A_124 = tpu.memref_squeeze %dma_wait3A_123 : memref<1x96x64xf32, #tpu.memory_space<vmem>> -> memref<96x64xf32, #tpu.memory_space<vmem>>
      %dma_wait3A_125 = arith.constant 104 : i32
      %dma_wait3A_126 = tpu.memref_slice %arg5[%add3A_109, %dma_wait3A_125] : memref<128x200xi32, #tpu.memory_space<vmem>> -> memref<1x96xi32, #tpu.memory_space<vmem>>
      %dma_wait3A_127 = tpu.memref_squeeze %dma_wait3A_126 : memref<1x96xi32, #tpu.memory_space<vmem>> -> memref<96xi32, #tpu.memory_space<vmem>>
      %dma_wait3A_128 = arith.constant 0 : i32
      %dma_wait3A_129 = arith.constant 0 : i32
      %dma_wait3A_130 = tpu.memref_slice %arg3[%dma_wait3A_128, %dma_wait3A_129] : memref<1000000x64xf32, #tpu.memory_space<hbm>> -> memref<1000000x64xf32, #tpu.memory_space<hbm>>
      tpu.wait_indirect_dma semaphore(%arg8 : memref<!tpu.dma_semaphore, #tpu.memory_space<semaphore_mem>>) src(%dma_wait3A_130 : memref<1000000x64xf32, #tpu.memory_space<hbm>>) dst(%dma_wait3A_124 : memref<96x64xf32, #tpu.memory_space<vmem>>)
      %scan3A_131 = arith.constant 0 : i32
      %scan3A_132 = arith.constant 200 : i32
      %scan3A_133 = arith.addi %scan3A_131, %scan3A_132 : i32
      %scan3A_134 = arith.constant 8 : i32
      %scan3A_135:4 = scf.for %scan3A_331 = %scan3A_131 to %scan3A_133 step %scan3A_134 iter_args(%scan3A_332 = %broadcast_in_dim3A_3, %scan3A_333 = %broadcast_in_dim3A_3, %scan3A_334 = %broadcast_in_dim3A_3, %scan3A_335 = %broadcast_in_dim3A_3) -> (vector<16xf32>, vector<16xf32>, vector<16xf32>, vector<16xf32>)  : i32 {
        %mul3A_336 = arith.constant 1 : i32
        %mul3A_337 = arith.muli %scan3A_331, %mul3A_336 : i32
        %add3A_338 = arith.constant 0 : i32
        %add3A_339 = arith.addi %add3A_338, %mul3A_337 : i32
        %get3A = arith.constant 0 : i32
        %get3A_340 = arith.index_cast %get3A : i32 to index
        %get3A_341 = arith.index_cast %add3A_339 : i32 to index
        %get3A_342 = arith.constant 0 : index
        %get3A_343 = tpu.vector_load %arg6[%get3A_340, %get3A_341, %get3A_342] {strides = array<i32>} : memref<4x200x64xf32, #tpu.memory_space<vmem>>, vector<1x1x16xf32>,
        %get3A_344 = vector.shape_cast %get3A_343 : vector<1x1x16xf32> to vector<16xf32>
        %add3A_345 = arith.addf %scan3A_332, %get3A_344 : vector<16xf32>
        %get3A_346 = arith.constant 0 : i32
        %get3A_347 = arith.index_cast %get3A_346 : i32 to index
        %get3A_348 = arith.index_cast %add3A_339 : i32 to index
        %get3A_349 = arith.constant 16 : index
        %get3A_350 = tpu.vector_load %arg6[%get3A_347, %get3A_348, %get3A_349] {strides = array<i32>} : memref<4x200x64xf32, #tpu.memory_space<vmem>>, vector<1x1x16xf32>,
        %get3A_351 = vector.shape_cast %get3A_350 : vector<1x1x16xf32> to vector<16xf32>
        %add3A_352 = arith.addf %scan3A_333, %get3A_351 : vector<16xf32>
        %get3A_353 = arith.constant 0 : i32
        %get3A_354 = arith.index_cast %get3A_353 : i32 to index
        %get3A_355 = arith.index_cast %add3A_339 : i32 to index
        %get3A_356 = arith.constant 32 : index
        %get3A_357 = tpu.vector_load %arg6[%get3A_354, %get3A_355, %get3A_356] {strides = array<i32>} : memref<4x200x64xf32, #tpu.memory_space<vmem>>, vector<1x1x16xf32>,
        %get3A_358 = vector.shape_cast %get3A_357 : vector<1x1x16xf32> to vector<16xf32>
        %add3A_359 = arith.addf %scan3A_334, %get3A_358 : vector<16xf32>
        %get3A_360 = arith.constant 0 : i32
        %get3A_361 = arith.index_cast %get3A_360 : i32 to index
        %get3A_362 = arith.index_cast %add3A_339 : i32 to index
        %get3A_363 = arith.constant 48 : index
        %get3A_364 = tpu.vector_load %arg6[%get3A_361, %get3A_362, %get3A_363] {strides = array<i32>} : memref<4x200x64xf32, #tpu.memory_space<vmem>>, vector<1x1x16xf32>,
        %get3A_365 = vector.shape_cast %get3A_364 : vector<1x1x16xf32> to vector<16xf32>
        %add3A_366 = arith.addf %scan3A_335, %get3A_365 : vector<16xf32>
        %scan3A_367 = arith.constant 1 : i32
        %scan3A_368 = arith.addi %scan3A_331, %scan3A_367 : i32
        %mul3A_369 = arith.constant 1 : i32
        %mul3A_370 = arith.muli %scan3A_368, %mul3A_369 : i32
        %add3A_371 = arith.constant 0 : i32
        %add3A_372 = arith.addi %add3A_371, %mul3A_370 : i32
        %get3A_373 = arith.constant 0 : i32
        %get3A_374 = arith.index_cast %get3A_373 : i32 to index
        %get3A_375 = arith.index_cast %add3A_372 : i32 to index
        %get3A_376 = arith.constant 0 : index
        %get3A_377 = tpu.vector_load %arg6[%get3A_374, %get3A_375, %get3A_376] {strides = array<i32>} : memref<4x200x64xf32, #tpu.memory_space<vmem>>, vector<1x1x16xf32>,
        %get3A_378 = vector.shape_cast %get3A_377 : vector<1x1x16xf32> to vector<16xf32>
        %add3A_379 = arith.addf %add3A_345, %get3A_378 : vector<16xf32>
        %get3A_380 = arith.constant 0 : i32
        %get3A_381 = arith.index_cast %get3A_380 : i32 to index
        %get3A_382 = arith.index_cast %add3A_372 : i32 to index
        %get3A_383 = arith.constant 16 : index
        %get3A_384 = tpu.vector_load %arg6[%get3A_381, %get3A_382, %get3A_383] {strides = array<i32>} : memref<4x200x64xf32, #tpu.memory_space<vmem>>, vector<1x1x16xf32>,
        %get3A_385 = vector.shape_cast %get3A_384 : vector<1x1x16xf32> to vector<16xf32>
        %add3A_386 = arith.addf %add3A_352, %get3A_385 : vector<16xf32>
        %get3A_387 = arith.constant 0 : i32
        %get3A_388 = arith.index_cast %get3A_387 : i32 to index
        %get3A_389 = arith.index_cast %add3A_372 : i32 to index
        %get3A_390 = arith.constant 32 : index
        %get3A_391 = tpu.vector_load %arg6[%get3A_388, %get3A_389, %get3A_390] {strides = array<i32>} : memref<4x200x64xf32, #tpu.memory_space<vmem>>, vector<1x1x16xf32>,
        %get3A_392 = vector.shape_cast %get3A_391 : vector<1x1x16xf32> to vector<16xf32>
        %add3A_393 = arith.addf %add3A_359, %get3A_392 : vector<16xf32>
        %get3A_394 = arith.constant 0 : i32
        %get3A_395 = arith.index_cast %get3A_394 : i32 to index
        %get3A_396 = arith.index_cast %add3A_372 : i32 to index
        %get3A_397 = arith.constant 48 : index
        %get3A_398 = tpu.vector_load %arg6[%get3A_395, %get3A_396, %get3A_397] {strides = array<i32>} : memref<4x200x64xf32, #tpu.memory_space<vmem>>, vector<1x1x16xf32>,
        %get3A_399 = vector.shape_cast %get3A_398 : vector<1x1x16xf32> to vector<16xf32>
        %add3A_400 = arith.addf %add3A_366, %get3A_399 : vector<16xf32>
        %scan3A_401 = arith.constant 2 : i32
        %scan3A_402 = arith.addi %scan3A_331, %scan3A_401 : i32
        %mul3A_403 = arith.constant 1 : i32
        %mul3A_404 = arith.muli %scan3A_402, %mul3A_403 : i32
        %add3A_405 = arith.constant 0 : i32
        %add3A_406 = arith.addi %add3A_405, %mul3A_404 : i32
        %get3A_407 = arith.constant 0 : i32
        %get3A_408 = arith.index_cast %get3A_407 : i32 to index
        %get3A_409 = arith.index_cast %add3A_406 : i32 to index
        %get3A_410 = arith.constant 0 : index
        %get3A_411 = tpu.vector_load %arg6[%get3A_408, %get3A_409, %get3A_410] {strides = array<i32>} : memref<4x200x64xf32, #tpu.memory_space<vmem>>, vector<1x1x16xf32>,
        %get3A_412 = vector.shape_cast %get3A_411 : vector<1x1x16xf32> to vector<16xf32>
        %add3A_413 = arith.addf %add3A_379, %get3A_412 : vector<16xf32>
        %get3A_414 = arith.constant 0 : i32
        %get3A_415 = arith.index_cast %get3A_414 : i32 to index
        %get3A_416 = arith.index_cast %add3A_406 : i32 to index
        %get3A_417 = arith.constant 16 : index
        %get3A_418 = tpu.vector_load %arg6[%get3A_415, %get3A_416, %get3A_417] {strides = array<i32>} : memref<4x200x64xf32, #tpu.memory_space<vmem>>, vector<1x1x16xf32>,
        %get3A_419 = vector.shape_cast %get3A_418 : vector<1x1x16xf32> to vector<16xf32>
        %add3A_420 = arith.addf %add3A_386, %get3A_419 : vector<16xf32>
        %get3A_421 = arith.constant 0 : i32
        %get3A_422 = arith.index_cast %get3A_421 : i32 to index
        %get3A_423 = arith.index_cast %add3A_406 : i32 to index
        %get3A_424 = arith.constant 32 : index
        %get3A_425 = tpu.vector_load %arg6[%get3A_422, %get3A_423, %get3A_424] {strides = array<i32>} : memref<4x200x64xf32, #tpu.memory_space<vmem>>, vector<1x1x16xf32>,
        %get3A_426 = vector.shape_cast %get3A_425 : vector<1x1x16xf32> to vector<16xf32>
        %add3A_427 = arith.addf %add3A_393, %get3A_426 : vector<16xf32>
        %get3A_428 = arith.constant 0 : i32
        %get3A_429 = arith.index_cast %get3A_428 : i32 to index
        %get3A_430 = arith.index_cast %add3A_406 : i32 to index
        %get3A_431 = arith.constant 48 : index
        %get3A_432 = tpu.vector_load %arg6[%get3A_429, %get3A_430, %get3A_431] {strides = array<i32>} : memref<4x200x64xf32, #tpu.memory_space<vmem>>, vector<1x1x16xf32>,
        %get3A_433 = vector.shape_cast %get3A_432 : vector<1x1x16xf32> to vector<16xf32>
        %add3A_434 = arith.addf %add3A_400, %get3A_433 : vector<16xf32>
        %scan3A_435 = arith.constant 3 : i32
        %scan3A_436 = arith.addi %scan3A_331, %scan3A_435 : i32
        %mul3A_437 = arith.constant 1 : i32
        %mul3A_438 = arith.muli %scan3A_436, %mul3A_437 : i32
        %add3A_439 = arith.constant 0 : i32
        %add3A_440 = arith.addi %add3A_439, %mul3A_438 : i32
        %get3A_441 = arith.constant 0 : i32
        %get3A_442 = arith.index_cast %get3A_441 : i32 to index
        %get3A_443 = arith.index_cast %add3A_440 : i32 to index
        %get3A_444 = arith.constant 0 : index
        %get3A_445 = tpu.vector_load %arg6[%get3A_442, %get3A_443, %get3A_444] {strides = array<i32>} : memref<4x200x64xf32, #tpu.memory_space<vmem>>, vector<1x1x16xf32>,
        %get3A_446 = vector.shape_cast %get3A_445 : vector<1x1x16xf32> to vector<16xf32>
        %add3A_447 = arith.addf %add3A_413, %get3A_446 : vector<16xf32>
        %get3A_448 = arith.constant 0 : i32
        %get3A_449 = arith.index_cast %get3A_448 : i32 to index
        %get3A_450 = arith.index_cast %add3A_440 : i32 to index
        %get3A_451 = arith.constant 16 : index
        %get3A_452 = tpu.vector_load %arg6[%get3A_449, %get3A_450, %get3A_451] {strides = array<i32>} : memref<4x200x64xf32, #tpu.memory_space<vmem>>, vector<1x1x16xf32>,
        %get3A_453 = vector.shape_cast %get3A_452 : vector<1x1x16xf32> to vector<16xf32>
        %add3A_454 = arith.addf %add3A_420, %get3A_453 : vector<16xf32>
        %get3A_455 = arith.constant 0 : i32
        %get3A_456 = arith.index_cast %get3A_455 : i32 to index
        %get3A_457 = arith.index_cast %add3A_440 : i32 to index
        %get3A_458 = arith.constant 32 : index
        %get3A_459 = tpu.vector_load %arg6[%get3A_456, %get3A_457, %get3A_458] {strides = array<i32>} : memref<4x200x64xf32, #tpu.memory_space<vmem>>, vector<1x1x16xf32>,
        %get3A_460 = vector.shape_cast %get3A_459 : vector<1x1x16xf32> to vector<16xf32>
        %add3A_461 = arith.addf %add3A_427, %get3A_460 : vector<16xf32>
        %get3A_462 = arith.constant 0 : i32
        %get3A_463 = arith.index_cast %get3A_462 : i32 to index
        %get3A_464 = arith.index_cast %add3A_440 : i32 to index
        %get3A_465 = arith.constant 48 : index
        %get3A_466 = tpu.vector_load %arg6[%get3A_463, %get3A_464, %get3A_465] {strides = array<i32>} : memref<4x200x64xf32, #tpu.memory_space<vmem>>, vector<1x1x16xf32>,
        %get3A_467 = vector.shape_cast %get3A_466 : vector<1x1x16xf32> to vector<16xf32>
        %add3A_468 = arith.addf %add3A_434, %get3A_467 : vector<16xf32>
        %scan3A_469 = arith.constant 4 : i32
        %scan3A_470 = arith.addi %scan3A_331, %scan3A_469 : i32
        %mul3A_471 = arith.constant 1 : i32
        %mul3A_472 = arith.muli %scan3A_470, %mul3A_471 : i32
        %add3A_473 = arith.constant 0 : i32
        %add3A_474 = arith.addi %add3A_473, %mul3A_472 : i32
        %get3A_475 = arith.constant 0 : i32
        %get3A_476 = arith.index_cast %get3A_475 : i32 to index
        %get3A_477 = arith.index_cast %add3A_474 : i32 to index
        %get3A_478 = arith.constant 0 : index
        %get3A_479 = tpu.vector_load %arg6[%get3A_476, %get3A_477, %get3A_478] {strides = array<i32>} : memref<4x200x64xf32, #tpu.memory_space<vmem>>, vector<1x1x16xf32>,
        %get3A_480 = vector.shape_cast %get3A_479 : vector<1x1x16xf32> to vector<16xf32>
        %add3A_481 = arith.addf %add3A_447, %get3A_480 : vector<16xf32>
        %get3A_482 = arith.constant 0 : i32
        %get3A_483 = arith.index_cast %get3A_482 : i32 to index
        %get3A_484 = arith.index_cast %add3A_474 : i32 to index
        %get3A_485 = arith.constant 16 : index
        %get3A_486 = tpu.vector_load %arg6[%get3A_483, %get3A_484, %get3A_485] {strides = array<i32>} : memref<4x200x64xf32, #tpu.memory_space<vmem>>, vector<1x1x16xf32>,
        %get3A_487 = vector.shape_cast %get3A_486 : vector<1x1x16xf32> to vector<16xf32>
        %add3A_488 = arith.addf %add3A_454, %get3A_487 : vector<16xf32>
        %get3A_489 = arith.constant 0 : i32
        %get3A_490 = arith.index_cast %get3A_489 : i32 to index
        %get3A_491 = arith.index_cast %add3A_474 : i32 to index
        %get3A_492 = arith.constant 32 : index
        %get3A_493 = tpu.vector_load %arg6[%get3A_490, %get3A_491, %get3A_492] {strides = array<i32>} : memref<4x200x64xf32, #tpu.memory_space<vmem>>, vector<1x1x16xf32>,
        %get3A_494 = vector.shape_cast %get3A_493 : vector<1x1x16xf32> to vector<16xf32>
        %add3A_495 = arith.addf %add3A_461, %get3A_494 : vector<16xf32>
        %get3A_496 = arith.constant 0 : i32
        %get3A_497 = arith.index_cast %get3A_496 : i32 to index
        %get3A_498 = arith.index_cast %add3A_474 : i32 to index
        %get3A_499 = arith.constant 48 : index
        %get3A_500 = tpu.vector_load %arg6[%get3A_497, %get3A_498, %get3A_499] {strides = array<i32>} : memref<4x200x64xf32, #tpu.memory_space<vmem>>, vector<1x1x16xf32>,
        %get3A_501 = vector.shape_cast %get3A_500 : vector<1x1x16xf32> to vector<16xf32>
        %add3A_502 = arith.addf %add3A_468, %get3A_501 : vector<16xf32>
        %scan3A_503 = arith.constant 5 : i32
        %scan3A_504 = arith.addi %scan3A_331, %scan3A_503 : i32
        %mul3A_505 = arith.constant 1 : i32
        %mul3A_506 = arith.muli %scan3A_504, %mul3A_505 : i32
        %add3A_507 = arith.constant 0 : i32
        %add3A_508 = arith.addi %add3A_507, %mul3A_506 : i32
        %get3A_509 = arith.constant 0 : i32
        %get3A_510 = arith.index_cast %get3A_509 : i32 to index
        %get3A_511 = arith.index_cast %add3A_508 : i32 to index
        %get3A_512 = arith.constant 0 : index
        %get3A_513 = tpu.vector_load %arg6[%get3A_510, %get3A_511, %get3A_512] {strides = array<i32>} : memref<4x200x64xf32, #tpu.memory_space<vmem>>, vector<1x1x16xf32>,
        %get3A_514 = vector.shape_cast %get3A_513 : vector<1x1x16xf32> to vector<16xf32>
        %add3A_515 = arith.addf %add3A_481, %get3A_514 : vector<16xf32>
        %get3A_516 = arith.constant 0 : i32
        %get3A_517 = arith.index_cast %get3A_516 : i32 to index
        %get3A_518 = arith.index_cast %add3A_508 : i32 to index
        %get3A_519 = arith.constant 16 : index
        %get3A_520 = tpu.vector_load %arg6[%get3A_517, %get3A_518, %get3A_519] {strides = array<i32>} : memref<4x200x64xf32, #tpu.memory_space<vmem>>, vector<1x1x16xf32>,
        %get3A_521 = vector.shape_cast %get3A_520 : vector<1x1x16xf32> to vector<16xf32>
        %add3A_522 = arith.addf %add3A_488, %get3A_521 : vector<16xf32>
        %get3A_523 = arith.constant 0 : i32
        %get3A_524 = arith.index_cast %get3A_523 : i32 to index
        %get3A_525 = arith.index_cast %add3A_508 : i32 to index
        %get3A_526 = arith.constant 32 : index
        %get3A_527 = tpu.vector_load %arg6[%get3A_524, %get3A_525, %get3A_526] {strides = array<i32>} : memref<4x200x64xf32, #tpu.memory_space<vmem>>, vector<1x1x16xf32>,
        %get3A_528 = vector.shape_cast %get3A_527 : vector<1x1x16xf32> to vector<16xf32>
        %add3A_529 = arith.addf %add3A_495, %get3A_528 : vector<16xf32>
        %get3A_530 = arith.constant 0 : i32
        %get3A_531 = arith.index_cast %get3A_530 : i32 to index
        %get3A_532 = arith.index_cast %add3A_508 : i32 to index
        %get3A_533 = arith.constant 48 : index
        %get3A_534 = tpu.vector_load %arg6[%get3A_531, %get3A_532, %get3A_533] {strides = array<i32>} : memref<4x200x64xf32, #tpu.memory_space<vmem>>, vector<1x1x16xf32>,
        %get3A_535 = vector.shape_cast %get3A_534 : vector<1x1x16xf32> to vector<16xf32>
        %add3A_536 = arith.addf %add3A_502, %get3A_535 : vector<16xf32>
        %scan3A_537 = arith.constant 6 : i32
        %scan3A_538 = arith.addi %scan3A_331, %scan3A_537 : i32
        %mul3A_539 = arith.constant 1 : i32
        %mul3A_540 = arith.muli %scan3A_538, %mul3A_539 : i32
        %add3A_541 = arith.constant 0 : i32
        %add3A_542 = arith.addi %add3A_541, %mul3A_540 : i32
        %get3A_543 = arith.constant 0 : i32
        %get3A_544 = arith.index_cast %get3A_543 : i32 to index
        %get3A_545 = arith.index_cast %add3A_542 : i32 to index
        %get3A_546 = arith.constant 0 : index
        %get3A_547 = tpu.vector_load %arg6[%get3A_544, %get3A_545, %get3A_546] {strides = array<i32>} : memref<4x200x64xf32, #tpu.memory_space<vmem>>, vector<1x1x16xf32>,
        %get3A_548 = vector.shape_cast %get3A_547 : vector<1x1x16xf32> to vector<16xf32>
        %add3A_549 = arith.addf %add3A_515, %get3A_548 : vector<16xf32>
        %get3A_550 = arith.constant 0 : i32
        %get3A_551 = arith.index_cast %get3A_550 : i32 to index
        %get3A_552 = arith.index_cast %add3A_542 : i32 to index
        %get3A_553 = arith.constant 16 : index
        %get3A_554 = tpu.vector_load %arg6[%get3A_551, %get3A_552, %get3A_553] {strides = array<i32>} : memref<4x200x64xf32, #tpu.memory_space<vmem>>, vector<1x1x16xf32>,
        %get3A_555 = vector.shape_cast %get3A_554 : vector<1x1x16xf32> to vector<16xf32>
        %add3A_556 = arith.addf %add3A_522, %get3A_555 : vector<16xf32>
        %get3A_557 = arith.constant 0 : i32
        %get3A_558 = arith.index_cast %get3A_557 : i32 to index
        %get3A_559 = arith.index_cast %add3A_542 : i32 to index
        %get3A_560 = arith.constant 32 : index
        %get3A_561 = tpu.vector_load %arg6[%get3A_558, %get3A_559, %get3A_560] {strides = array<i32>} : memref<4x200x64xf32, #tpu.memory_space<vmem>>, vector<1x1x16xf32>,
        %get3A_562 = vector.shape_cast %get3A_561 : vector<1x1x16xf32> to vector<16xf32>
        %add3A_563 = arith.addf %add3A_529, %get3A_562 : vector<16xf32>
        %get3A_564 = arith.constant 0 : i32
        %get3A_565 = arith.index_cast %get3A_564 : i32 to index
        %get3A_566 = arith.index_cast %add3A_542 : i32 to index
        %get3A_567 = arith.constant 48 : index
        %get3A_568 = tpu.vector_load %arg6[%get3A_565, %get3A_566, %get3A_567] {strides = array<i32>} : memref<4x200x64xf32, #tpu.memory_space<vmem>>, vector<1x1x16xf32>,
        %get3A_569 = vector.shape_cast %get3A_568 : vector<1x1x16xf32> to vector<16xf32>
        %add3A_570 = arith.addf %add3A_536, %get3A_569 : vector<16xf32>
        %scan3A_571 = arith.constant 7 : i32
        %scan3A_572 = arith.addi %scan3A_331, %scan3A_571 : i32
        %mul3A_573 = arith.constant 1 : i32
        %mul3A_574 = arith.muli %scan3A_572, %mul3A_573 : i32
        %add3A_575 = arith.constant 0 : i32
        %add3A_576 = arith.addi %add3A_575, %mul3A_574 : i32
        %get3A_577 = arith.constant 0 : i32
        %get3A_578 = arith.index_cast %get3A_577 : i32 to index
        %get3A_579 = arith.index_cast %add3A_576 : i32 to index
        %get3A_580 = arith.constant 0 : index
        %get3A_581 = tpu.vector_load %arg6[%get3A_578, %get3A_579, %get3A_580] {strides = array<i32>} : memref<4x200x64xf32, #tpu.memory_space<vmem>>, vector<1x1x16xf32>,
        %get3A_582 = vector.shape_cast %get3A_581 : vector<1x1x16xf32> to vector<16xf32>
        %add3A_583 = arith.addf %add3A_549, %get3A_582 : vector<16xf32>
        %get3A_584 = arith.constant 0 : i32
        %get3A_585 = arith.index_cast %get3A_584 : i32 to index
        %get3A_586 = arith.index_cast %add3A_576 : i32 to index
        %get3A_587 = arith.constant 16 : index
        %get3A_588 = tpu.vector_load %arg6[%get3A_585, %get3A_586, %get3A_587] {strides = array<i32>} : memref<4x200x64xf32, #tpu.memory_space<vmem>>, vector<1x1x16xf32>,
        %get3A_589 = vector.shape_cast %get3A_588 : vector<1x1x16xf32> to vector<16xf32>
        %add3A_590 = arith.addf %add3A_556, %get3A_589 : vector<16xf32>
        %get3A_591 = arith.constant 0 : i32
        %get3A_592 = arith.index_cast %get3A_591 : i32 to index
        %get3A_593 = arith.index_cast %add3A_576 : i32 to index
        %get3A_594 = arith.constant 32 : index
        %get3A_595 = tpu.vector_load %arg6[%get3A_592, %get3A_593, %get3A_594] {strides = array<i32>} : memref<4x200x64xf32, #tpu.memory_space<vmem>>, vector<1x1x16xf32>,
        %get3A_596 = vector.shape_cast %get3A_595 : vector<1x1x16xf32> to vector<16xf32>
        %add3A_597 = arith.addf %add3A_563, %get3A_596 : vector<16xf32>
        %get3A_598 = arith.constant 0 : i32
        %get3A_599 = arith.index_cast %get3A_598 : i32 to index
        %get3A_600 = arith.index_cast %add3A_576 : i32 to index
        %get3A_601 = arith.constant 48 : index
        %get3A_602 = tpu.vector_load %arg6[%get3A_599, %get3A_600, %get3A_601] {strides = array<i32>} : memref<4x200x64xf32, #tpu.memory_space<vmem>>, vector<1x1x16xf32>,
        %get3A_603 = vector.shape_cast %get3A_602 : vector<1x1x16xf32> to vector<16xf32>
        %add3A_604 = arith.addf %add3A_570, %get3A_603 : vector<16xf32>
        scf.yield %add3A_583, %add3A_590, %add3A_597, %add3A_604 : vector<16xf32>, vector<16xf32>, vector<16xf32>, vector<16xf32>
      }
      %scan3A_136 = arith.constant 200 : i32
      %swap3A = arith.index_cast %add3A_109 : i32 to index
      %swap3A_137 = arith.constant 0 : index
      %swap3A_138 = tpu.vector_load %arg7[%swap3A, %swap3A_137] {strides = array<i32>} : memref<128x64xf32, #tpu.memory_space<vmem>>, vector<1x16xf32>,
      %swap3A_139 = vector.shape_cast %swap3A_138 : vector<1x16xf32> to vector<16xf32>
      %swap3A_140 = vector.shape_cast %scan3A_135#0 : vector<16xf32> to vector<1x16xf32>
      tpu.vector_store %arg7[%swap3A, %swap3A_137], %swap3A_140 {strides = array<i32>} : memref<128x64xf32, #tpu.memory_space<vmem>>, vector<1x16xf32>,
      %swap3A_141 = arith.index_cast %add3A_109 : i32 to index
      %swap3A_142 = arith.constant 16 : index
      %swap3A_143 = tpu.vector_load %arg7[%swap3A_141, %swap3A_142] {strides = array<i32>} : memref<128x64xf32, #tpu.memory_space<vmem>>, vector<1x16xf32>,
      %swap3A_144 = vector.shape_cast %swap3A_143 : vector<1x16xf32> to vector<16xf32>
      %swap3A_145 = vector.shape_cast %scan3A_135#1 : vector<16xf32> to vector<1x16xf32>
      tpu.vector_store %arg7[%swap3A_141, %swap3A_142], %swap3A_145 {strides = array<i32>} : memref<128x64xf32, #tpu.memory_space<vmem>>, vector<1x16xf32>,
      %swap3A_146 = arith.index_cast %add3A_109 : i32 to index
      %swap3A_147 = arith.constant 32 : index
      %swap3A_148 = tpu.vector_load %arg7[%swap3A_146, %swap3A_147] {strides = array<i32>} : memref<128x64xf32, #tpu.memory_space<vmem>>, vector<1x16xf32>,
      %swap3A_149 = vector.shape_cast %swap3A_148 : vector<1x16xf32> to vector<16xf32>
      %swap3A_150 = vector.shape_cast %scan3A_135#2 : vector<16xf32> to vector<1x16xf32>
      tpu.vector_store %arg7[%swap3A_146, %swap3A_147], %swap3A_150 {strides = array<i32>} : memref<128x64xf32, #tpu.memory_space<vmem>>, vector<1x16xf32>,
      %swap3A_151 = arith.index_cast %add3A_109 : i32 to index
      %swap3A_152 = arith.constant 48 : index
      %swap3A_153 = tpu.vector_load %arg7[%swap3A_151, %swap3A_152] {strides = array<i32>} : memref<128x64xf32, #tpu.memory_space<vmem>>, vector<1x16xf32>,
      %swap3A_154 = vector.shape_cast %swap3A_153 : vector<1x16xf32> to vector<16xf32>
      %swap3A_155 = vector.shape_cast %scan3A_135#3 : vector<16xf32> to vector<1x16xf32>
      tpu.vector_store %arg7[%swap3A_151, %swap3A_152], %swap3A_155 {strides = array<i32>} : memref<128x64xf32, #tpu.memory_space<vmem>>, vector<1x16xf32>,
      %add3A_156 = arith.constant 4 : i32
      %add3A_157 = arith.addi %add3A_109, %add3A_156 : i32
      %lt3A = arith.constant 128 : i32
      %lt3A_158 = arith.cmpi slt, %add3A_157, %lt3A : i32
      %convert_element_type3A = arith.extui %lt3A_158 : i1 to i32
      %cond3A = arith.constant 0 : i32
      %cond3A_159 = arith.cmpi ne, %convert_element_type3A, %cond3A : i32
      scf.if %cond3A_159 {
        %add3A_331 = arith.constant 4 : i32
        %add3A_332 = arith.addi %add3A_109, %add3A_331 : i32
        %dma_start3A_333 = arith.constant 0 : i32
        %dma_start3A_334 = arith.constant 0 : i32
        %dma_start3A_335 = arith.constant 0 : i32
        %dma_start3A_336 = tpu.memref_slice %arg6[%dma_start3A_333, %dma_start3A_334, %dma_start3A_335] : memref<4x200x64xf32, #tpu.memory_space<vmem>> -> memref<1x104x64xf32, #tpu.memory_space<vmem>>
        %dma_start3A_337 = tpu.memref_squeeze %dma_start3A_336 : memref<1x104x64xf32, #tpu.memory_space<vmem>> -> memref<104x64xf32, #tpu.memory_space<vmem>>
        %dma_start3A_338 = arith.constant 0 : i32
        %dma_start3A_339 = tpu.memref_slice %arg5[%add3A_332, %dma_start3A_338] : memref<128x200xi32, #tpu.memory_space<vmem>> -> memref<1x104xi32, #tpu.memory_space<vmem>>
        %dma_start3A_340 = tpu.memref_squeeze %dma_start3A_339 : memref<1x104xi32, #tpu.memory_space<vmem>> -> memref<104xi32, #tpu.memory_space<vmem>>
        %dma_start3A_341 = arith.constant 0 : i32
        %dma_start3A_342 = arith.constant 0 : i32
        %dma_start3A_343 = tpu.memref_slice %arg3[%dma_start3A_341, %dma_start3A_342] : memref<1000000x64xf32, #tpu.memory_space<hbm>> -> memref<1000000x64xf32, #tpu.memory_space<hbm>>
        tpu.enqueue_indirect_dma source(%dma_start3A_343 : memref<1000000x64xf32, #tpu.memory_space<hbm>>) target(%dma_start3A_337 : memref<104x64xf32, #tpu.memory_space<vmem>>) offsets(%dma_start3A_340 : memref<104xi32, #tpu.memory_space<vmem>>) semaphore(%arg8 : memref<!tpu.dma_semaphore, #tpu.memory_space<semaphore_mem>>)
        %dma_start3A_344 = arith.constant 0 : i32
        %dma_start3A_345 = arith.constant 104 : i32
        %dma_start3A_346 = arith.constant 0 : i32
        %dma_start3A_347 = tpu.memref_slice %arg6[%dma_start3A_344, %dma_start3A_345, %dma_start3A_346] : memref<4x200x64xf32, #tpu.memory_space<vmem>> -> memref<1x96x64xf32, #tpu.memory_space<vmem>>
        %dma_start3A_348 = tpu.memref_squeeze %dma_start3A_347 : memref<1x96x64xf32, #tpu.memory_space<vmem>> -> memref<96x64xf32, #tpu.memory_space<vmem>>
        %dma_start3A_349 = arith.constant 104 : i32
        %dma_start3A_350 = tpu.memref_slice %arg5[%add3A_332, %dma_start3A_349] : memref<128x200xi32, #tpu.memory_space<vmem>> -> memref<1x96xi32, #tpu.memory_space<vmem>>
        %dma_start3A_351 = tpu.memref_squeeze %dma_start3A_350 : memref<1x96xi32, #tpu.memory_space<vmem>> -> memref<96xi32, #tpu.memory_space<vmem>>
        %dma_start3A_352 = arith.constant 0 : i32
        %dma_start3A_353 = arith.constant 0 : i32
        %dma_start3A_354 = tpu.memref_slice %arg3[%dma_start3A_352, %dma_start3A_353] : memref<1000000x64xf32, #tpu.memory_space<hbm>> -> memref<1000000x64xf32, #tpu.memory_space<hbm>>
        tpu.enqueue_indirect_dma source(%dma_start3A_354 : memref<1000000x64xf32, #tpu.memory_space<hbm>>) target(%dma_start3A_348 : memref<96x64xf32, #tpu.memory_space<vmem>>) offsets(%dma_start3A_351 : memref<96xi32, #tpu.memory_space<vmem>>) semaphore(%arg8 : memref<!tpu.dma_semaphore, #tpu.memory_space<semaphore_mem>>)
      } else {
      }
      %add3A_160 = arith.constant 1 : i32
      %add3A_161 = arith.addi %add3A_107, %add3A_160 : i32
      %dma_wait3A_162 = arith.constant 1 : i32
      %dma_wait3A_163 = arith.constant 0 : i32
      %dma_wait3A_164 = arith.constant 0 : i32
      %dma_wait3A_165 = tpu.memref_slice %arg6[%dma_wait3A_162, %dma_wait3A_163, %dma_wait3A_164] : memref<4x200x64xf32, #tpu.memory_space<vmem>> -> memref<1x104x64xf32, #tpu.memory_space<vmem>>
      %dma_wait3A_166 = tpu.memref_squeeze %dma_wait3A_165 : memref<1x104x64xf32, #tpu.memory_space<vmem>> -> memref<104x64xf32, #tpu.memory_space<vmem>>
      %dma_wait3A_167 = arith.constant 0 : i32
      %dma_wait3A_168 = tpu.memref_slice %arg5[%add3A_161, %dma_wait3A_167] : memref<128x200xi32, #tpu.memory_space<vmem>> -> memref<1x104xi32, #tpu.memory_space<vmem>>
      %dma_wait3A_169 = tpu.memref_squeeze %dma_wait3A_168 : memref<1x104xi32, #tpu.memory_space<vmem>> -> memref<104xi32, #tpu.memory_space<vmem>>
      %dma_wait3A_170 = arith.constant 0 : i32
      %dma_wait3A_171 = arith.constant 0 : i32
      %dma_wait3A_172 = tpu.memref_slice %arg3[%dma_wait3A_170, %dma_wait3A_171] : memref<1000000x64xf32, #tpu.memory_space<hbm>> -> memref<1000000x64xf32, #tpu.memory_space<hbm>>
      tpu.wait_indirect_dma semaphore(%arg9 : memref<!tpu.dma_semaphore, #tpu.memory_space<semaphore_mem>>) src(%dma_wait3A_172 : memref<1000000x64xf32, #tpu.memory_space<hbm>>) dst(%dma_wait3A_166 : memref<104x64xf32, #tpu.memory_space<vmem>>)
      %dma_wait3A_173 = arith.constant 1 : i32
      %dma_wait3A_174 = arith.constant 104 : i32
      %dma_wait3A_175 = arith.constant 0 : i32
      %dma_wait3A_176 = tpu.memref_slice %arg6[%dma_wait3A_173, %dma_wait3A_174, %dma_wait3A_175] : memref<4x200x64xf32, #tpu.memory_space<vmem>> -> memref<1x96x64xf32, #tpu.memory_space<vmem>>
      %dma_wait3A_177 = tpu.memref_squeeze %dma_wait3A_176 : memref<1x96x64xf32, #tpu.memory_space<vmem>> -> memref<96x64xf32, #tpu.memory_space<vmem>>
      %dma_wait3A_178 = arith.constant 104 : i32
      %dma_wait3A_179 = tpu.memref_slice %arg5[%add3A_161, %dma_wait3A_178] : memref<128x200xi32, #tpu.memory_space<vmem>> -> memref<1x96xi32, #tpu.memory_space<vmem>>
      %dma_wait3A_180 = tpu.memref_squeeze %dma_wait3A_179 : memref<1x96xi32, #tpu.memory_space<vmem>> -> memref<96xi32, #tpu.memory_space<vmem>>
      %dma_wait3A_181 = arith.constant 0 : i32
      %dma_wait3A_182 = arith.constant 0 : i32
      %dma_wait3A_183 = tpu.memref_slice %arg3[%dma_wait3A_181, %dma_wait3A_182] : memref<1000000x64xf32, #tpu.memory_space<hbm>> -> memref<1000000x64xf32, #tpu.memory_space<hbm>>
      tpu.wait_indirect_dma semaphore(%arg9 : memref<!tpu.dma_semaphore, #tpu.memory_space<semaphore_mem>>) src(%dma_wait3A_183 : memref<1000000x64xf32, #tpu.memory_space<hbm>>) dst(%dma_wait3A_177 : memref<96x64xf32, #tpu.memory_space<vmem>>)
      %scan3A_184 = arith.constant 0 : i32
      %scan3A_185 = arith.constant 200 : i32
      %scan3A_186 = arith.addi %scan3A_184, %scan3A_185 : i32
      %scan3A_187 = arith.constant 8 : i32
      %scan3A_188:4 = scf.for %scan3A_331 = %scan3A_184 to %scan3A_186 step %scan3A_187 iter_args(%scan3A_332 = %broadcast_in_dim3A_3, %scan3A_333 = %broadcast_in_dim3A_3, %scan3A_334 = %broadcast_in_dim3A_3, %scan3A_335 = %broadcast_in_dim3A_3) -> (vector<16xf32>, vector<16xf32>, vector<16xf32>, vector<16xf32>)  : i32 {
        %mul3A_336 = arith.constant 1 : i32
        %mul3A_337 = arith.muli %scan3A_331, %mul3A_336 : i32
        %add3A_338 = arith.constant 0 : i32
        %add3A_339 = arith.addi %add3A_338, %mul3A_337 : i32
        %get3A = arith.constant 1 : i32
        %get3A_340 = arith.index_cast %get3A : i32 to index
        %get3A_341 = arith.index_cast %add3A_339 : i32 to index
        %get3A_342 = arith.constant 0 : index
        %get3A_343 = tpu.vector_load %arg6[%get3A_340, %get3A_341, %get3A_342] {strides = array<i32>} : memref<4x200x64xf32, #tpu.memory_space<vmem>>, vector<1x1x16xf32>,
        %get3A_344 = vector.shape_cast %get3A_343 : vector<1x1x16xf32> to vector<16xf32>
        %add3A_345 = arith.addf %scan3A_332, %get3A_344 : vector<16xf32>
        %get3A_346 = arith.constant 1 : i32
        %get3A_347 = arith.index_cast %get3A_346 : i32 to index
        %get3A_348 = arith.index_cast %add3A_339 : i32 to index
        %get3A_349 = arith.constant 16 : index
        %get3A_350 = tpu.vector_load %arg6[%get3A_347, %get3A_348, %get3A_349] {strides = array<i32>} : memref<4x200x64xf32, #tpu.memory_space<vmem>>, vector<1x1x16xf32>,
        %get3A_351 = vector.shape_cast %get3A_350 : vector<1x1x16xf32> to vector<16xf32>
        %add3A_352 = arith.addf %scan3A_333, %get3A_351 : vector<16xf32>
        %get3A_353 = arith.constant 1 : i32
        %get3A_354 = arith.index_cast %get3A_353 : i32 to index
        %get3A_355 = arith.index_cast %add3A_339 : i32 to index
        %get3A_356 = arith.constant 32 : index
        %get3A_357 = tpu.vector_load %arg6[%get3A_354, %get3A_355, %get3A_356] {strides = array<i32>} : memref<4x200x64xf32, #tpu.memory_space<vmem>>, vector<1x1x16xf32>,
        %get3A_358 = vector.shape_cast %get3A_357 : vector<1x1x16xf32> to vector<16xf32>
        %add3A_359 = arith.addf %scan3A_334, %get3A_358 : vector<16xf32>
        %get3A_360 = arith.constant 1 : i32
        %get3A_361 = arith.index_cast %get3A_360 : i32 to index
        %get3A_362 = arith.index_cast %add3A_339 : i32 to index
        %get3A_363 = arith.constant 48 : index
        %get3A_364 = tpu.vector_load %arg6[%get3A_361, %get3A_362, %get3A_363] {strides = array<i32>} : memref<4x200x64xf32, #tpu.memory_space<vmem>>, vector<1x1x16xf32>,
        %get3A_365 = vector.shape_cast %get3A_364 : vector<1x1x16xf32> to vector<16xf32>
        %add3A_366 = arith.addf %scan3A_335, %get3A_365 : vector<16xf32>
        %scan3A_367 = arith.constant 1 : i32
        %scan3A_368 = arith.addi %scan3A_331, %scan3A_367 : i32
        %mul3A_369 = arith.constant 1 : i32
        %mul3A_370 = arith.muli %scan3A_368, %mul3A_369 : i32
        %add3A_371 = arith.constant 0 : i32
        %add3A_372 = arith.addi %add3A_371, %mul3A_370 : i32
        %get3A_373 = arith.constant 1 : i32
        %get3A_374 = arith.index_cast %get3A_373 : i32 to index
        %get3A_375 = arith.index_cast %add3A_372 : i32 to index
        %get3A_376 = arith.constant 0 : index
        %get3A_377 = tpu.vector_load %arg6[%get3A_374, %get3A_375, %get3A_376] {strides = array<i32>} : memref<4x200x64xf32, #tpu.memory_space<vmem>>, vector<1x1x16xf32>,
        %get3A_378 = vector.shape_cast %get3A_377 : vector<1x1x16xf32> to vector<16xf32>
        %add3A_379 = arith.addf %add3A_345, %get3A_378 : vector<16xf32>
        %get3A_380 = arith.constant 1 : i32
        %get3A_381 = arith.index_cast %get3A_380 : i32 to index
        %get3A_382 = arith.index_cast %add3A_372 : i32 to index
        %get3A_383 = arith.constant 16 : index
        %get3A_384 = tpu.vector_load %arg6[%get3A_381, %get3A_382, %get3A_383] {strides = array<i32>} : memref<4x200x64xf32, #tpu.memory_space<vmem>>, vector<1x1x16xf32>,
        %get3A_385 = vector.shape_cast %get3A_384 : vector<1x1x16xf32> to vector<16xf32>
        %add3A_386 = arith.addf %add3A_352, %get3A_385 : vector<16xf32>
        %get3A_387 = arith.constant 1 : i32
        %get3A_388 = arith.index_cast %get3A_387 : i32 to index
        %get3A_389 = arith.index_cast %add3A_372 : i32 to index
        %get3A_390 = arith.constant 32 : index
        %get3A_391 = tpu.vector_load %arg6[%get3A_388, %get3A_389, %get3A_390] {strides = array<i32>} : memref<4x200x64xf32, #tpu.memory_space<vmem>>, vector<1x1x16xf32>,
        %get3A_392 = vector.shape_cast %get3A_391 : vector<1x1x16xf32> to vector<16xf32>
        %add3A_393 = arith.addf %add3A_359, %get3A_392 : vector<16xf32>
        %get3A_394 = arith.constant 1 : i32
        %get3A_395 = arith.index_cast %get3A_394 : i32 to index
        %get3A_396 = arith.index_cast %add3A_372 : i32 to index
        %get3A_397 = arith.constant 48 : index
        %get3A_398 = tpu.vector_load %arg6[%get3A_395, %get3A_396, %get3A_397] {strides = array<i32>} : memref<4x200x64xf32, #tpu.memory_space<vmem>>, vector<1x1x16xf32>,
        %get3A_399 = vector.shape_cast %get3A_398 : vector<1x1x16xf32> to vector<16xf32>
        %add3A_400 = arith.addf %add3A_366, %get3A_399 : vector<16xf32>
        %scan3A_401 = arith.constant 2 : i32
        %scan3A_402 = arith.addi %scan3A_331, %scan3A_401 : i32
        %mul3A_403 = arith.constant 1 : i32
        %mul3A_404 = arith.muli %scan3A_402, %mul3A_403 : i32
        %add3A_405 = arith.constant 0 : i32
        %add3A_406 = arith.addi %add3A_405, %mul3A_404 : i32
        %get3A_407 = arith.constant 1 : i32
        %get3A_408 = arith.index_cast %get3A_407 : i32 to index
        %get3A_409 = arith.index_cast %add3A_406 : i32 to index
        %get3A_410 = arith.constant 0 : index
        %get3A_411 = tpu.vector_load %arg6[%get3A_408, %get3A_409, %get3A_410] {strides = array<i32>} : memref<4x200x64xf32, #tpu.memory_space<vmem>>, vector<1x1x16xf32>,
        %get3A_412 = vector.shape_cast %get3A_411 : vector<1x1x16xf32> to vector<16xf32>
        %add3A_413 = arith.addf %add3A_379, %get3A_412 : vector<16xf32>
        %get3A_414 = arith.constant 1 : i32
        %get3A_415 = arith.index_cast %get3A_414 : i32 to index
        %get3A_416 = arith.index_cast %add3A_406 : i32 to index
        %get3A_417 = arith.constant 16 : index
        %get3A_418 = tpu.vector_load %arg6[%get3A_415, %get3A_416, %get3A_417] {strides = array<i32>} : memref<4x200x64xf32, #tpu.memory_space<vmem>>, vector<1x1x16xf32>,
        %get3A_419 = vector.shape_cast %get3A_418 : vector<1x1x16xf32> to vector<16xf32>
        %add3A_420 = arith.addf %add3A_386, %get3A_419 : vector<16xf32>
        %get3A_421 = arith.constant 1 : i32
        %get3A_422 = arith.index_cast %get3A_421 : i32 to index
        %get3A_423 = arith.index_cast %add3A_406 : i32 to index
        %get3A_424 = arith.constant 32 : index
        %get3A_425 = tpu.vector_load %arg6[%get3A_422, %get3A_423, %get3A_424] {strides = array<i32>} : memref<4x200x64xf32, #tpu.memory_space<vmem>>, vector<1x1x16xf32>,
        %get3A_426 = vector.shape_cast %get3A_425 : vector<1x1x16xf32> to vector<16xf32>
        %add3A_427 = arith.addf %add3A_393, %get3A_426 : vector<16xf32>
        %get3A_428 = arith.constant 1 : i32
        %get3A_429 = arith.index_cast %get3A_428 : i32 to index
        %get3A_430 = arith.index_cast %add3A_406 : i32 to index
        %get3A_431 = arith.constant 48 : index
        %get3A_432 = tpu.vector_load %arg6[%get3A_429, %get3A_430, %get3A_431] {strides = array<i32>} : memref<4x200x64xf32, #tpu.memory_space<vmem>>, vector<1x1x16xf32>,
        %get3A_433 = vector.shape_cast %get3A_432 : vector<1x1x16xf32> to vector<16xf32>
        %add3A_434 = arith.addf %add3A_400, %get3A_433 : vector<16xf32>
        %scan3A_435 = arith.constant 3 : i32
        %scan3A_436 = arith.addi %scan3A_331, %scan3A_435 : i32
        %mul3A_437 = arith.constant 1 : i32
        %mul3A_438 = arith.muli %scan3A_436, %mul3A_437 : i32
        %add3A_439 = arith.constant 0 : i32
        %add3A_440 = arith.addi %add3A_439, %mul3A_438 : i32
        %get3A_441 = arith.constant 1 : i32
        %get3A_442 = arith.index_cast %get3A_441 : i32 to index
        %get3A_443 = arith.index_cast %add3A_440 : i32 to index
        %get3A_444 = arith.constant 0 : index
        %get3A_445 = tpu.vector_load %arg6[%get3A_442, %get3A_443, %get3A_444] {strides = array<i32>} : memref<4x200x64xf32, #tpu.memory_space<vmem>>, vector<1x1x16xf32>,
        %get3A_446 = vector.shape_cast %get3A_445 : vector<1x1x16xf32> to vector<16xf32>
        %add3A_447 = arith.addf %add3A_413, %get3A_446 : vector<16xf32>
        %get3A_448 = arith.constant 1 : i32
        %get3A_449 = arith.index_cast %get3A_448 : i32 to index
        %get3A_450 = arith.index_cast %add3A_440 : i32 to index
        %get3A_451 = arith.constant 16 : index
        %get3A_452 = tpu.vector_load %arg6[%get3A_449, %get3A_450, %get3A_451] {strides = array<i32>} : memref<4x200x64xf32, #tpu.memory_space<vmem>>, vector<1x1x16xf32>,
        %get3A_453 = vector.shape_cast %get3A_452 : vector<1x1x16xf32> to vector<16xf32>
        %add3A_454 = arith.addf %add3A_420, %get3A_453 : vector<16xf32>
        %get3A_455 = arith.constant 1 : i32
        %get3A_456 = arith.index_cast %get3A_455 : i32 to index
        %get3A_457 = arith.index_cast %add3A_440 : i32 to index
        %get3A_458 = arith.constant 32 : index
        %get3A_459 = tpu.vector_load %arg6[%get3A_456, %get3A_457, %get3A_458] {strides = array<i32>} : memref<4x200x64xf32, #tpu.memory_space<vmem>>, vector<1x1x16xf32>,
        %get3A_460 = vector.shape_cast %get3A_459 : vector<1x1x16xf32> to vector<16xf32>
        %add3A_461 = arith.addf %add3A_427, %get3A_460 : vector<16xf32>
        %get3A_462 = arith.constant 1 : i32
        %get3A_463 = arith.index_cast %get3A_462 : i32 to index
        %get3A_464 = arith.index_cast %add3A_440 : i32 to index
        %get3A_465 = arith.constant 48 : index
        %get3A_466 = tpu.vector_load %arg6[%get3A_463, %get3A_464, %get3A_465] {strides = array<i32>} : memref<4x200x64xf32, #tpu.memory_space<vmem>>, vector<1x1x16xf32>,
        %get3A_467 = vector.shape_cast %get3A_466 : vector<1x1x16xf32> to vector<16xf32>
        %add3A_468 = arith.addf %add3A_434, %get3A_467 : vector<16xf32>
        %scan3A_469 = arith.constant 4 : i32
        %scan3A_470 = arith.addi %scan3A_331, %scan3A_469 : i32
        %mul3A_471 = arith.constant 1 : i32
        %mul3A_472 = arith.muli %scan3A_470, %mul3A_471 : i32
        %add3A_473 = arith.constant 0 : i32
        %add3A_474 = arith.addi %add3A_473, %mul3A_472 : i32
        %get3A_475 = arith.constant 1 : i32
        %get3A_476 = arith.index_cast %get3A_475 : i32 to index
        %get3A_477 = arith.index_cast %add3A_474 : i32 to index
        %get3A_478 = arith.constant 0 : index
        %get3A_479 = tpu.vector_load %arg6[%get3A_476, %get3A_477, %get3A_478] {strides = array<i32>} : memref<4x200x64xf32, #tpu.memory_space<vmem>>, vector<1x1x16xf32>,
        %get3A_480 = vector.shape_cast %get3A_479 : vector<1x1x16xf32> to vector<16xf32>
        %add3A_481 = arith.addf %add3A_447, %get3A_480 : vector<16xf32>
        %get3A_482 = arith.constant 1 : i32
        %get3A_483 = arith.index_cast %get3A_482 : i32 to index
        %get3A_484 = arith.index_cast %add3A_474 : i32 to index
        %get3A_485 = arith.constant 16 : index
        %get3A_486 = tpu.vector_load %arg6[%get3A_483, %get3A_484, %get3A_485] {strides = array<i32>} : memref<4x200x64xf32, #tpu.memory_space<vmem>>, vector<1x1x16xf32>,
        %get3A_487 = vector.shape_cast %get3A_486 : vector<1x1x16xf32> to vector<16xf32>
        %add3A_488 = arith.addf %add3A_454, %get3A_487 : vector<16xf32>
        %get3A_489 = arith.constant 1 : i32
        %get3A_490 = arith.index_cast %get3A_489 : i32 to index
        %get3A_491 = arith.index_cast %add3A_474 : i32 to index
        %get3A_492 = arith.constant 32 : index
        %get3A_493 = tpu.vector_load %arg6[%get3A_490, %get3A_491, %get3A_492] {strides = array<i32>} : memref<4x200x64xf32, #tpu.memory_space<vmem>>, vector<1x1x16xf32>,
        %get3A_494 = vector.shape_cast %get3A_493 : vector<1x1x16xf32> to vector<16xf32>
        %add3A_495 = arith.addf %add3A_461, %get3A_494 : vector<16xf32>
        %get3A_496 = arith.constant 1 : i32
        %get3A_497 = arith.index_cast %get3A_496 : i32 to index
        %get3A_498 = arith.index_cast %add3A_474 : i32 to index
        %get3A_499 = arith.constant 48 : index
        %get3A_500 = tpu.vector_load %arg6[%get3A_497, %get3A_498, %get3A_499] {strides = array<i32>} : memref<4x200x64xf32, #tpu.memory_space<vmem>>, vector<1x1x16xf32>,
        %get3A_501 = vector.shape_cast %get3A_500 : vector<1x1x16xf32> to vector<16xf32>
        %add3A_502 = arith.addf %add3A_468, %get3A_501 : vector<16xf32>
        %scan3A_503 = arith.constant 5 : i32
        %scan3A_504 = arith.addi %scan3A_331, %scan3A_503 : i32
        %mul3A_505 = arith.constant 1 : i32
        %mul3A_506 = arith.muli %scan3A_504, %mul3A_505 : i32
        %add3A_507 = arith.constant 0 : i32
        %add3A_508 = arith.addi %add3A_507, %mul3A_506 : i32
        %get3A_509 = arith.constant 1 : i32
        %get3A_510 = arith.index_cast %get3A_509 : i32 to index
        %get3A_511 = arith.index_cast %add3A_508 : i32 to index
        %get3A_512 = arith.constant 0 : index
        %get3A_513 = tpu.vector_load %arg6[%get3A_510, %get3A_511, %get3A_512] {strides = array<i32>} : memref<4x200x64xf32, #tpu.memory_space<vmem>>, vector<1x1x16xf32>,
        %get3A_514 = vector.shape_cast %get3A_513 : vector<1x1x16xf32> to vector<16xf32>
        %add3A_515 = arith.addf %add3A_481, %get3A_514 : vector<16xf32>
        %get3A_516 = arith.constant 1 : i32
        %get3A_517 = arith.index_cast %get3A_516 : i32 to index
        %get3A_518 = arith.index_cast %add3A_508 : i32 to index
        %get3A_519 = arith.constant 16 : index
        %get3A_520 = tpu.vector_load %arg6[%get3A_517, %get3A_518, %get3A_519] {strides = array<i32>} : memref<4x200x64xf32, #tpu.memory_space<vmem>>, vector<1x1x16xf32>,
        %get3A_521 = vector.shape_cast %get3A_520 : vector<1x1x16xf32> to vector<16xf32>
        %add3A_522 = arith.addf %add3A_488, %get3A_521 : vector<16xf32>
        %get3A_523 = arith.constant 1 : i32
        %get3A_524 = arith.index_cast %get3A_523 : i32 to index
        %get3A_525 = arith.index_cast %add3A_508 : i32 to index
        %get3A_526 = arith.constant 32 : index
        %get3A_527 = tpu.vector_load %arg6[%get3A_524, %get3A_525, %get3A_526] {strides = array<i32>} : memref<4x200x64xf32, #tpu.memory_space<vmem>>, vector<1x1x16xf32>,
        %get3A_528 = vector.shape_cast %get3A_527 : vector<1x1x16xf32> to vector<16xf32>
        %add3A_529 = arith.addf %add3A_495, %get3A_528 : vector<16xf32>
        %get3A_530 = arith.constant 1 : i32
        %get3A_531 = arith.index_cast %get3A_530 : i32 to index
        %get3A_532 = arith.index_cast %add3A_508 : i32 to index
        %get3A_533 = arith.constant 48 : index
        %get3A_534 = tpu.vector_load %arg6[%get3A_531, %get3A_532, %get3A_533] {strides = array<i32>} : memref<4x200x64xf32, #tpu.memory_space<vmem>>, vector<1x1x16xf32>,
        %get3A_535 = vector.shape_cast %get3A_534 : vector<1x1x16xf32> to vector<16xf32>
        %add3A_536 = arith.addf %add3A_502, %get3A_535 : vector<16xf32>
        %scan3A_537 = arith.constant 6 : i32
        %scan3A_538 = arith.addi %scan3A_331, %scan3A_537 : i32
        %mul3A_539 = arith.constant 1 : i32
        %mul3A_540 = arith.muli %scan3A_538, %mul3A_539 : i32
        %add3A_541 = arith.constant 0 : i32
        %add3A_542 = arith.addi %add3A_541, %mul3A_540 : i32
        %get3A_543 = arith.constant 1 : i32
        %get3A_544 = arith.index_cast %get3A_543 : i32 to index
        %get3A_545 = arith.index_cast %add3A_542 : i32 to index
        %get3A_546 = arith.constant 0 : index
        %get3A_547 = tpu.vector_load %arg6[%get3A_544, %get3A_545, %get3A_546] {strides = array<i32>} : memref<4x200x64xf32, #tpu.memory_space<vmem>>, vector<1x1x16xf32>,
        %get3A_548 = vector.shape_cast %get3A_547 : vector<1x1x16xf32> to vector<16xf32>
        %add3A_549 = arith.addf %add3A_515, %get3A_548 : vector<16xf32>
        %get3A_550 = arith.constant 1 : i32
        %get3A_551 = arith.index_cast %get3A_550 : i32 to index
        %get3A_552 = arith.index_cast %add3A_542 : i32 to index
        %get3A_553 = arith.constant 16 : index
        %get3A_554 = tpu.vector_load %arg6[%get3A_551, %get3A_552, %get3A_553] {strides = array<i32>} : memref<4x200x64xf32, #tpu.memory_space<vmem>>, vector<1x1x16xf32>,
        %get3A_555 = vector.shape_cast %get3A_554 : vector<1x1x16xf32> to vector<16xf32>
        %add3A_556 = arith.addf %add3A_522, %get3A_555 : vector<16xf32>
        %get3A_557 = arith.constant 1 : i32
        %get3A_558 = arith.index_cast %get3A_557 : i32 to index
        %get3A_559 = arith.index_cast %add3A_542 : i32 to index
        %get3A_560 = arith.constant 32 : index
        %get3A_561 = tpu.vector_load %arg6[%get3A_558, %get3A_559, %get3A_560] {strides = array<i32>} : memref<4x200x64xf32, #tpu.memory_space<vmem>>, vector<1x1x16xf32>,
        %get3A_562 = vector.shape_cast %get3A_561 : vector<1x1x16xf32> to vector<16xf32>
        %add3A_563 = arith.addf %add3A_529, %get3A_562 : vector<16xf32>
        %get3A_564 = arith.constant 1 : i32
        %get3A_565 = arith.index_cast %get3A_564 : i32 to index
        %get3A_566 = arith.index_cast %add3A_542 : i32 to index
        %get3A_567 = arith.constant 48 : index
        %get3A_568 = tpu.vector_load %arg6[%get3A_565, %get3A_566, %get3A_567] {strides = array<i32>} : memref<4x200x64xf32, #tpu.memory_space<vmem>>, vector<1x1x16xf32>,
        %get3A_569 = vector.shape_cast %get3A_568 : vector<1x1x16xf32> to vector<16xf32>
        %add3A_570 = arith.addf %add3A_536, %get3A_569 : vector<16xf32>
        %scan3A_571 = arith.constant 7 : i32
        %scan3A_572 = arith.addi %scan3A_331, %scan3A_571 : i32
        %mul3A_573 = arith.constant 1 : i32
        %mul3A_574 = arith.muli %scan3A_572, %mul3A_573 : i32
        %add3A_575 = arith.constant 0 : i32
        %add3A_576 = arith.addi %add3A_575, %mul3A_574 : i32
        %get3A_577 = arith.constant 1 : i32
        %get3A_578 = arith.index_cast %get3A_577 : i32 to index
        %get3A_579 = arith.index_cast %add3A_576 : i32 to index
        %get3A_580 = arith.constant 0 : index
        %get3A_581 = tpu.vector_load %arg6[%get3A_578, %get3A_579, %get3A_580] {strides = array<i32>} : memref<4x200x64xf32, #tpu.memory_space<vmem>>, vector<1x1x16xf32>,
        %get3A_582 = vector.shape_cast %get3A_581 : vector<1x1x16xf32> to vector<16xf32>
        %add3A_583 = arith.addf %add3A_549, %get3A_582 : vector<16xf32>
        %get3A_584 = arith.constant 1 : i32
        %get3A_585 = arith.index_cast %get3A_584 : i32 to index
        %get3A_586 = arith.index_cast %add3A_576 : i32 to index
        %get3A_587 = arith.constant 16 : index
        %get3A_588 = tpu.vector_load %arg6[%get3A_585, %get3A_586, %get3A_587] {strides = array<i32>} : memref<4x200x64xf32, #tpu.memory_space<vmem>>, vector<1x1x16xf32>,
        %get3A_589 = vector.shape_cast %get3A_588 : vector<1x1x16xf32> to vector<16xf32>
        %add3A_590 = arith.addf %add3A_556, %get3A_589 : vector<16xf32>
        %get3A_591 = arith.constant 1 : i32
        %get3A_592 = arith.index_cast %get3A_591 : i32 to index
        %get3A_593 = arith.index_cast %add3A_576 : i32 to index
        %get3A_594 = arith.constant 32 : index
        %get3A_595 = tpu.vector_load %arg6[%get3A_592, %get3A_593, %get3A_594] {strides = array<i32>} : memref<4x200x64xf32, #tpu.memory_space<vmem>>, vector<1x1x16xf32>,
        %get3A_596 = vector.shape_cast %get3A_595 : vector<1x1x16xf32> to vector<16xf32>
        %add3A_597 = arith.addf %add3A_563, %get3A_596 : vector<16xf32>
        %get3A_598 = arith.constant 1 : i32
        %get3A_599 = arith.index_cast %get3A_598 : i32 to index
        %get3A_600 = arith.index_cast %add3A_576 : i32 to index
        %get3A_601 = arith.constant 48 : index
        %get3A_602 = tpu.vector_load %arg6[%get3A_599, %get3A_600, %get3A_601] {strides = array<i32>} : memref<4x200x64xf32, #tpu.memory_space<vmem>>, vector<1x1x16xf32>,
        %get3A_603 = vector.shape_cast %get3A_602 : vector<1x1x16xf32> to vector<16xf32>
        %add3A_604 = arith.addf %add3A_570, %get3A_603 : vector<16xf32>
        scf.yield %add3A_583, %add3A_590, %add3A_597, %add3A_604 : vector<16xf32>, vector<16xf32>, vector<16xf32>, vector<16xf32>
      }
      %scan3A_189 = arith.constant 200 : i32
      %swap3A_190 = arith.index_cast %add3A_161 : i32 to index
      %swap3A_191 = arith.constant 0 : index
      %swap3A_192 = tpu.vector_load %arg7[%swap3A_190, %swap3A_191] {strides = array<i32>} : memref<128x64xf32, #tpu.memory_space<vmem>>, vector<1x16xf32>,
      %swap3A_193 = vector.shape_cast %swap3A_192 : vector<1x16xf32> to vector<16xf32>
      %swap3A_194 = vector.shape_cast %scan3A_188#0 : vector<16xf32> to vector<1x16xf32>
      tpu.vector_store %arg7[%swap3A_190, %swap3A_191], %swap3A_194 {strides = array<i32>} : memref<128x64xf32, #tpu.memory_space<vmem>>, vector<1x16xf32>,
      %swap3A_195 = arith.index_cast %add3A_161 : i32 to index
      %swap3A_196 = arith.constant 16 : index
      %swap3A_197 = tpu.vector_load %arg7[%swap3A_195, %swap3A_196] {strides = array<i32>} : memref<128x64xf32, #tpu.memory_space<vmem>>, vector<1x16xf32>,
      %swap3A_198 = vector.shape_cast %swap3A_197 : vector<1x16xf32> to vector<16xf32>
      %swap3A_199 = vector.shape_cast %scan3A_188#1 : vector<16xf32> to vector<1x16xf32>
      tpu.vector_store %arg7[%swap3A_195, %swap3A_196], %swap3A_199 {strides = array<i32>} : memref<128x64xf32, #tpu.memory_space<vmem>>, vector<1x16xf32>,
      %swap3A_200 = arith.index_cast %add3A_161 : i32 to index
      %swap3A_201 = arith.constant 32 : index
      %swap3A_202 = tpu.vector_load %arg7[%swap3A_200, %swap3A_201] {strides = array<i32>} : memref<128x64xf32, #tpu.memory_space<vmem>>, vector<1x16xf32>,
      %swap3A_203 = vector.shape_cast %swap3A_202 : vector<1x16xf32> to vector<16xf32>
      %swap3A_204 = vector.shape_cast %scan3A_188#2 : vector<16xf32> to vector<1x16xf32>
      tpu.vector_store %arg7[%swap3A_200, %swap3A_201], %swap3A_204 {strides = array<i32>} : memref<128x64xf32, #tpu.memory_space<vmem>>, vector<1x16xf32>,
      %swap3A_205 = arith.index_cast %add3A_161 : i32 to index
      %swap3A_206 = arith.constant 48 : index
      %swap3A_207 = tpu.vector_load %arg7[%swap3A_205, %swap3A_206] {strides = array<i32>} : memref<128x64xf32, #tpu.memory_space<vmem>>, vector<1x16xf32>,
      %swap3A_208 = vector.shape_cast %swap3A_207 : vector<1x16xf32> to vector<16xf32>
      %swap3A_209 = vector.shape_cast %scan3A_188#3 : vector<16xf32> to vector<1x16xf32>
      tpu.vector_store %arg7[%swap3A_205, %swap3A_206], %swap3A_209 {strides = array<i32>} : memref<128x64xf32, #tpu.memory_space<vmem>>, vector<1x16xf32>,
      %add3A_210 = arith.constant 4 : i32
      %add3A_211 = arith.addi %add3A_161, %add3A_210 : i32
      %lt3A_212 = arith.constant 128 : i32
      %lt3A_213 = arith.cmpi slt, %add3A_211, %lt3A_212 : i32
      %convert_element_type3A_214 = arith.extui %lt3A_213 : i1 to i32
      %cond3A_215 = arith.constant 0 : i32
      %cond3A_216 = arith.cmpi ne, %convert_element_type3A_214, %cond3A_215 : i32
      scf.if %cond3A_216 {
        %add3A_331 = arith.constant 4 : i32
        %add3A_332 = arith.addi %add3A_161, %add3A_331 : i32
        %dma_start3A_333 = arith.constant 1 : i32
        %dma_start3A_334 = arith.constant 0 : i32
        %dma_start3A_335 = arith.constant 0 : i32
        %dma_start3A_336 = tpu.memref_slice %arg6[%dma_start3A_333, %dma_start3A_334, %dma_start3A_335] : memref<4x200x64xf32, #tpu.memory_space<vmem>> -> memref<1x104x64xf32, #tpu.memory_space<vmem>>
        %dma_start3A_337 = tpu.memref_squeeze %dma_start3A_336 : memref<1x104x64xf32, #tpu.memory_space<vmem>> -> memref<104x64xf32, #tpu.memory_space<vmem>>
        %dma_start3A_338 = arith.constant 0 : i32
        %dma_start3A_339 = tpu.memref_slice %arg5[%add3A_332, %dma_start3A_338] : memref<128x200xi32, #tpu.memory_space<vmem>> -> memref<1x104xi32, #tpu.memory_space<vmem>>
        %dma_start3A_340 = tpu.memref_squeeze %dma_start3A_339 : memref<1x104xi32, #tpu.memory_space<vmem>> -> memref<104xi32, #tpu.memory_space<vmem>>
        %dma_start3A_341 = arith.constant 0 : i32
        %dma_start3A_342 = arith.constant 0 : i32
        %dma_start3A_343 = tpu.memref_slice %arg3[%dma_start3A_341, %dma_start3A_342] : memref<1000000x64xf32, #tpu.memory_space<hbm>> -> memref<1000000x64xf32, #tpu.memory_space<hbm>>
        tpu.enqueue_indirect_dma source(%dma_start3A_343 : memref<1000000x64xf32, #tpu.memory_space<hbm>>) target(%dma_start3A_337 : memref<104x64xf32, #tpu.memory_space<vmem>>) offsets(%dma_start3A_340 : memref<104xi32, #tpu.memory_space<vmem>>) semaphore(%arg9 : memref<!tpu.dma_semaphore, #tpu.memory_space<semaphore_mem>>)
        %dma_start3A_344 = arith.constant 1 : i32
        %dma_start3A_345 = arith.constant 104 : i32
        %dma_start3A_346 = arith.constant 0 : i32
        %dma_start3A_347 = tpu.memref_slice %arg6[%dma_start3A_344, %dma_start3A_345, %dma_start3A_346] : memref<4x200x64xf32, #tpu.memory_space<vmem>> -> memref<1x96x64xf32, #tpu.memory_space<vmem>>
        %dma_start3A_348 = tpu.memref_squeeze %dma_start3A_347 : memref<1x96x64xf32, #tpu.memory_space<vmem>> -> memref<96x64xf32, #tpu.memory_space<vmem>>
        %dma_start3A_349 = arith.constant 104 : i32
        %dma_start3A_350 = tpu.memref_slice %arg5[%add3A_332, %dma_start3A_349] : memref<128x200xi32, #tpu.memory_space<vmem>> -> memref<1x96xi32, #tpu.memory_space<vmem>>
        %dma_start3A_351 = tpu.memref_squeeze %dma_start3A_350 : memref<1x96xi32, #tpu.memory_space<vmem>> -> memref<96xi32, #tpu.memory_space<vmem>>
        %dma_start3A_352 = arith.constant 0 : i32
        %dma_start3A_353 = arith.constant 0 : i32
        %dma_start3A_354 = tpu.memref_slice %arg3[%dma_start3A_352, %dma_start3A_353] : memref<1000000x64xf32, #tpu.memory_space<hbm>> -> memref<1000000x64xf32, #tpu.memory_space<hbm>>
        tpu.enqueue_indirect_dma source(%dma_start3A_354 : memref<1000000x64xf32, #tpu.memory_space<hbm>>) target(%dma_start3A_348 : memref<96x64xf32, #tpu.memory_space<vmem>>) offsets(%dma_start3A_351 : memref<96xi32, #tpu.memory_space<vmem>>) semaphore(%arg9 : memref<!tpu.dma_semaphore, #tpu.memory_space<semaphore_mem>>)
      } else {
      }
      %add3A_217 = arith.constant 2 : i32
      %add3A_218 = arith.addi %add3A_107, %add3A_217 : i32
      %dma_wait3A_219 = arith.constant 2 : i32
      %dma_wait3A_220 = arith.constant 0 : i32
      %dma_wait3A_221 = arith.constant 0 : i32
      %dma_wait3A_222 = tpu.memref_slice %arg6[%dma_wait3A_219, %dma_wait3A_220, %dma_wait3A_221] : memref<4x200x64xf32, #tpu.memory_space<vmem>> -> memref<1x104x64xf32, #tpu.memory_space<vmem>>
      %dma_wait3A_223 = tpu.memref_squeeze %dma_wait3A_222 : memref<1x104x64xf32, #tpu.memory_space<vmem>> -> memref<104x64xf32, #tpu.memory_space<vmem>>
      %dma_wait3A_224 = arith.constant 0 : i32
      %dma_wait3A_225 = tpu.memref_slice %arg5[%add3A_218, %dma_wait3A_224] : memref<128x200xi32, #tpu.memory_space<vmem>> -> memref<1x104xi32, #tpu.memory_space<vmem>>
      %dma_wait3A_226 = tpu.memref_squeeze %dma_wait3A_225 : memref<1x104xi32, #tpu.memory_space<vmem>> -> memref<104xi32, #tpu.memory_space<vmem>>
      %dma_wait3A_227 = arith.constant 0 : i32
      %dma_wait3A_228 = arith.constant 0 : i32
      %dma_wait3A_229 = tpu.memref_slice %arg3[%dma_wait3A_227, %dma_wait3A_228] : memref<1000000x64xf32, #tpu.memory_space<hbm>> -> memref<1000000x64xf32, #tpu.memory_space<hbm>>
      tpu.wait_indirect_dma semaphore(%arg10 : memref<!tpu.dma_semaphore, #tpu.memory_space<semaphore_mem>>) src(%dma_wait3A_229 : memref<1000000x64xf32, #tpu.memory_space<hbm>>) dst(%dma_wait3A_223 : memref<104x64xf32, #tpu.memory_space<vmem>>)
      %dma_wait3A_230 = arith.constant 2 : i32
      %dma_wait3A_231 = arith.constant 104 : i32
      %dma_wait3A_232 = arith.constant 0 : i32
      %dma_wait3A_233 = tpu.memref_slice %arg6[%dma_wait3A_230, %dma_wait3A_231, %dma_wait3A_232] : memref<4x200x64xf32, #tpu.memory_space<vmem>> -> memref<1x96x64xf32, #tpu.memory_space<vmem>>
      %dma_wait3A_234 = tpu.memref_squeeze %dma_wait3A_233 : memref<1x96x64xf32, #tpu.memory_space<vmem>> -> memref<96x64xf32, #tpu.memory_space<vmem>>
      %dma_wait3A_235 = arith.constant 104 : i32
      %dma_wait3A_236 = tpu.memref_slice %arg5[%add3A_218, %dma_wait3A_235] : memref<128x200xi32, #tpu.memory_space<vmem>> -> memref<1x96xi32, #tpu.memory_space<vmem>>
      %dma_wait3A_237 = tpu.memref_squeeze %dma_wait3A_236 : memref<1x96xi32, #tpu.memory_space<vmem>> -> memref<96xi32, #tpu.memory_space<vmem>>
      %dma_wait3A_238 = arith.constant 0 : i32
      %dma_wait3A_239 = arith.constant 0 : i32
      %dma_wait3A_240 = tpu.memref_slice %arg3[%dma_wait3A_238, %dma_wait3A_239] : memref<1000000x64xf32, #tpu.memory_space<hbm>> -> memref<1000000x64xf32, #tpu.memory_space<hbm>>
      tpu.wait_indirect_dma semaphore(%arg10 : memref<!tpu.dma_semaphore, #tpu.memory_space<semaphore_mem>>) src(%dma_wait3A_240 : memref<1000000x64xf32, #tpu.memory_space<hbm>>) dst(%dma_wait3A_234 : memref<96x64xf32, #tpu.memory_space<vmem>>)
      %scan3A_241 = arith.constant 0 : i32
      %scan3A_242 = arith.constant 200 : i32
      %scan3A_243 = arith.addi %scan3A_241, %scan3A_242 : i32
      %scan3A_244 = arith.constant 8 : i32
      %scan3A_245:4 = scf.for %scan3A_331 = %scan3A_241 to %scan3A_243 step %scan3A_244 iter_args(%scan3A_332 = %broadcast_in_dim3A_3, %scan3A_333 = %broadcast_in_dim3A_3, %scan3A_334 = %broadcast_in_dim3A_3, %scan3A_335 = %broadcast_in_dim3A_3) -> (vector<16xf32>, vector<16xf32>, vector<16xf32>, vector<16xf32>)  : i32 {
        %mul3A_336 = arith.constant 1 : i32
        %mul3A_337 = arith.muli %scan3A_331, %mul3A_336 : i32
        %add3A_338 = arith.constant 0 : i32
        %add3A_339 = arith.addi %add3A_338, %mul3A_337 : i32
        %get3A = arith.constant 2 : i32
        %get3A_340 = arith.index_cast %get3A : i32 to index
        %get3A_341 = arith.index_cast %add3A_339 : i32 to index
        %get3A_342 = arith.constant 0 : index
        %get3A_343 = tpu.vector_load %arg6[%get3A_340, %get3A_341, %get3A_342] {strides = array<i32>} : memref<4x200x64xf32, #tpu.memory_space<vmem>>, vector<1x1x16xf32>,
        %get3A_344 = vector.shape_cast %get3A_343 : vector<1x1x16xf32> to vector<16xf32>
        %add3A_345 = arith.addf %scan3A_332, %get3A_344 : vector<16xf32>
        %get3A_346 = arith.constant 2 : i32
        %get3A_347 = arith.index_cast %get3A_346 : i32 to index
        %get3A_348 = arith.index_cast %add3A_339 : i32 to index
        %get3A_349 = arith.constant 16 : index
        %get3A_350 = tpu.vector_load %arg6[%get3A_347, %get3A_348, %get3A_349] {strides = array<i32>} : memref<4x200x64xf32, #tpu.memory_space<vmem>>, vector<1x1x16xf32>,
        %get3A_351 = vector.shape_cast %get3A_350 : vector<1x1x16xf32> to vector<16xf32>
        %add3A_352 = arith.addf %scan3A_333, %get3A_351 : vector<16xf32>
        %get3A_353 = arith.constant 2 : i32
        %get3A_354 = arith.index_cast %get3A_353 : i32 to index
        %get3A_355 = arith.index_cast %add3A_339 : i32 to index
        %get3A_356 = arith.constant 32 : index
        %get3A_357 = tpu.vector_load %arg6[%get3A_354, %get3A_355, %get3A_356] {strides = array<i32>} : memref<4x200x64xf32, #tpu.memory_space<vmem>>, vector<1x1x16xf32>,
        %get3A_358 = vector.shape_cast %get3A_357 : vector<1x1x16xf32> to vector<16xf32>
        %add3A_359 = arith.addf %scan3A_334, %get3A_358 : vector<16xf32>
        %get3A_360 = arith.constant 2 : i32
        %get3A_361 = arith.index_cast %get3A_360 : i32 to index
        %get3A_362 = arith.index_cast %add3A_339 : i32 to index
        %get3A_363 = arith.constant 48 : index
        %get3A_364 = tpu.vector_load %arg6[%get3A_361, %get3A_362, %get3A_363] {strides = array<i32>} : memref<4x200x64xf32, #tpu.memory_space<vmem>>, vector<1x1x16xf32>,
        %get3A_365 = vector.shape_cast %get3A_364 : vector<1x1x16xf32> to vector<16xf32>
        %add3A_366 = arith.addf %scan3A_335, %get3A_365 : vector<16xf32>
        %scan3A_367 = arith.constant 1 : i32
        %scan3A_368 = arith.addi %scan3A_331, %scan3A_367 : i32
        %mul3A_369 = arith.constant 1 : i32
        %mul3A_370 = arith.muli %scan3A_368, %mul3A_369 : i32
        %add3A_371 = arith.constant 0 : i32
        %add3A_372 = arith.addi %add3A_371, %mul3A_370 : i32
        %get3A_373 = arith.constant 2 : i32
        %get3A_374 = arith.index_cast %get3A_373 : i32 to index
        %get3A_375 = arith.index_cast %add3A_372 : i32 to index
        %get3A_376 = arith.constant 0 : index
        %get3A_377 = tpu.vector_load %arg6[%get3A_374, %get3A_375, %get3A_376] {strides = array<i32>} : memref<4x200x64xf32, #tpu.memory_space<vmem>>, vector<1x1x16xf32>,
        %get3A_378 = vector.shape_cast %get3A_377 : vector<1x1x16xf32> to vector<16xf32>
        %add3A_379 = arith.addf %add3A_345, %get3A_378 : vector<16xf32>
        %get3A_380 = arith.constant 2 : i32
        %get3A_381 = arith.index_cast %get3A_380 : i32 to index
        %get3A_382 = arith.index_cast %add3A_372 : i32 to index
        %get3A_383 = arith.constant 16 : index
        %get3A_384 = tpu.vector_load %arg6[%get3A_381, %get3A_382, %get3A_383] {strides = array<i32>} : memref<4x200x64xf32, #tpu.memory_space<vmem>>, vector<1x1x16xf32>,
        %get3A_385 = vector.shape_cast %get3A_384 : vector<1x1x16xf32> to vector<16xf32>
        %add3A_386 = arith.addf %add3A_352, %get3A_385 : vector<16xf32>
        %get3A_387 = arith.constant 2 : i32
        %get3A_388 = arith.index_cast %get3A_387 : i32 to index
        %get3A_389 = arith.index_cast %add3A_372 : i32 to index
        %get3A_390 = arith.constant 32 : index
        %get3A_391 = tpu.vector_load %arg6[%get3A_388, %get3A_389, %get3A_390] {strides = array<i32>} : memref<4x200x64xf32, #tpu.memory_space<vmem>>, vector<1x1x16xf32>,
        %get3A_392 = vector.shape_cast %get3A_391 : vector<1x1x16xf32> to vector<16xf32>
        %add3A_393 = arith.addf %add3A_359, %get3A_392 : vector<16xf32>
        %get3A_394 = arith.constant 2 : i32
        %get3A_395 = arith.index_cast %get3A_394 : i32 to index
        %get3A_396 = arith.index_cast %add3A_372 : i32 to index
        %get3A_397 = arith.constant 48 : index
        %get3A_398 = tpu.vector_load %arg6[%get3A_395, %get3A_396, %get3A_397] {strides = array<i32>} : memref<4x200x64xf32, #tpu.memory_space<vmem>>, vector<1x1x16xf32>,
        %get3A_399 = vector.shape_cast %get3A_398 : vector<1x1x16xf32> to vector<16xf32>
        %add3A_400 = arith.addf %add3A_366, %get3A_399 : vector<16xf32>
        %scan3A_401 = arith.constant 2 : i32
        %scan3A_402 = arith.addi %scan3A_331, %scan3A_401 : i32
        %mul3A_403 = arith.constant 1 : i32
        %mul3A_404 = arith.muli %scan3A_402, %mul3A_403 : i32
        %add3A_405 = arith.constant 0 : i32
        %add3A_406 = arith.addi %add3A_405, %mul3A_404 : i32
        %get3A_407 = arith.constant 2 : i32
        %get3A_408 = arith.index_cast %get3A_407 : i32 to index
        %get3A_409 = arith.index_cast %add3A_406 : i32 to index
        %get3A_410 = arith.constant 0 : index
        %get3A_411 = tpu.vector_load %arg6[%get3A_408, %get3A_409, %get3A_410] {strides = array<i32>} : memref<4x200x64xf32, #tpu.memory_space<vmem>>, vector<1x1x16xf32>,
        %get3A_412 = vector.shape_cast %get3A_411 : vector<1x1x16xf32> to vector<16xf32>
        %add3A_413 = arith.addf %add3A_379, %get3A_412 : vector<16xf32>
        %get3A_414 = arith.constant 2 : i32
        %get3A_415 = arith.index_cast %get3A_414 : i32 to index
        %get3A_416 = arith.index_cast %add3A_406 : i32 to index
        %get3A_417 = arith.constant 16 : index
        %get3A_418 = tpu.vector_load %arg6[%get3A_415, %get3A_416, %get3A_417] {strides = array<i32>} : memref<4x200x64xf32, #tpu.memory_space<vmem>>, vector<1x1x16xf32>,
        %get3A_419 = vector.shape_cast %get3A_418 : vector<1x1x16xf32> to vector<16xf32>
        %add3A_420 = arith.addf %add3A_386, %get3A_419 : vector<16xf32>
        %get3A_421 = arith.constant 2 : i32
        %get3A_422 = arith.index_cast %get3A_421 : i32 to index
        %get3A_423 = arith.index_cast %add3A_406 : i32 to index
        %get3A_424 = arith.constant 32 : index
        %get3A_425 = tpu.vector_load %arg6[%get3A_422, %get3A_423, %get3A_424] {strides = array<i32>} : memref<4x200x64xf32, #tpu.memory_space<vmem>>, vector<1x1x16xf32>,
        %get3A_426 = vector.shape_cast %get3A_425 : vector<1x1x16xf32> to vector<16xf32>
        %add3A_427 = arith.addf %add3A_393, %get3A_426 : vector<16xf32>
        %get3A_428 = arith.constant 2 : i32
        %get3A_429 = arith.index_cast %get3A_428 : i32 to index
        %get3A_430 = arith.index_cast %add3A_406 : i32 to index
        %get3A_431 = arith.constant 48 : index
        %get3A_432 = tpu.vector_load %arg6[%get3A_429, %get3A_430, %get3A_431] {strides = array<i32>} : memref<4x200x64xf32, #tpu.memory_space<vmem>>, vector<1x1x16xf32>,
        %get3A_433 = vector.shape_cast %get3A_432 : vector<1x1x16xf32> to vector<16xf32>
        %add3A_434 = arith.addf %add3A_400, %get3A_433 : vector<16xf32>
        %scan3A_435 = arith.constant 3 : i32
        %scan3A_436 = arith.addi %scan3A_331, %scan3A_435 : i32
        %mul3A_437 = arith.constant 1 : i32
        %mul3A_438 = arith.muli %scan3A_436, %mul3A_437 : i32
        %add3A_439 = arith.constant 0 : i32
        %add3A_440 = arith.addi %add3A_439, %mul3A_438 : i32
        %get3A_441 = arith.constant 2 : i32
        %get3A_442 = arith.index_cast %get3A_441 : i32 to index
        %get3A_443 = arith.index_cast %add3A_440 : i32 to index
        %get3A_444 = arith.constant 0 : index
        %get3A_445 = tpu.vector_load %arg6[%get3A_442, %get3A_443, %get3A_444] {strides = array<i32>} : memref<4x200x64xf32, #tpu.memory_space<vmem>>, vector<1x1x16xf32>,
        %get3A_446 = vector.shape_cast %get3A_445 : vector<1x1x16xf32> to vector<16xf32>
        %add3A_447 = arith.addf %add3A_413, %get3A_446 : vector<16xf32>
        %get3A_448 = arith.constant 2 : i32
        %get3A_449 = arith.index_cast %get3A_448 : i32 to index
        %get3A_450 = arith.index_cast %add3A_440 : i32 to index
        %get3A_451 = arith.constant 16 : index
        %get3A_452 = tpu.vector_load %arg6[%get3A_449, %get3A_450, %get3A_451] {strides = array<i32>} : memref<4x200x64xf32, #tpu.memory_space<vmem>>, vector<1x1x16xf32>,
        %get3A_453 = vector.shape_cast %get3A_452 : vector<1x1x16xf32> to vector<16xf32>
        %add3A_454 = arith.addf %add3A_420, %get3A_453 : vector<16xf32>
        %get3A_455 = arith.constant 2 : i32
        %get3A_456 = arith.index_cast %get3A_455 : i32 to index
        %get3A_457 = arith.index_cast %add3A_440 : i32 to index
        %get3A_458 = arith.constant 32 : index
        %get3A_459 = tpu.vector_load %arg6[%get3A_456, %get3A_457, %get3A_458] {strides = array<i32>} : memref<4x200x64xf32, #tpu.memory_space<vmem>>, vector<1x1x16xf32>,
        %get3A_460 = vector.shape_cast %get3A_459 : vector<1x1x16xf32> to vector<16xf32>
        %add3A_461 = arith.addf %add3A_427, %get3A_460 : vector<16xf32>
        %get3A_462 = arith.constant 2 : i32
        %get3A_463 = arith.index_cast %get3A_462 : i32 to index
        %get3A_464 = arith.index_cast %add3A_440 : i32 to index
        %get3A_465 = arith.constant 48 : index
        %get3A_466 = tpu.vector_load %arg6[%get3A_463, %get3A_464, %get3A_465] {strides = array<i32>} : memref<4x200x64xf32, #tpu.memory_space<vmem>>, vector<1x1x16xf32>,
        %get3A_467 = vector.shape_cast %get3A_466 : vector<1x1x16xf32> to vector<16xf32>
        %add3A_468 = arith.addf %add3A_434, %get3A_467 : vector<16xf32>
        %scan3A_469 = arith.constant 4 : i32
        %scan3A_470 = arith.addi %scan3A_331, %scan3A_469 : i32
        %mul3A_471 = arith.constant 1 : i32
        %mul3A_472 = arith.muli %scan3A_470, %mul3A_471 : i32
        %add3A_473 = arith.constant 0 : i32
        %add3A_474 = arith.addi %add3A_473, %mul3A_472 : i32
        %get3A_475 = arith.constant 2 : i32
        %get3A_476 = arith.index_cast %get3A_475 : i32 to index
        %get3A_477 = arith.index_cast %add3A_474 : i32 to index
        %get3A_478 = arith.constant 0 : index
        %get3A_479 = tpu.vector_load %arg6[%get3A_476, %get3A_477, %get3A_478] {strides = array<i32>} : memref<4x200x64xf32, #tpu.memory_space<vmem>>, vector<1x1x16xf32>,
        %get3A_480 = vector.shape_cast %get3A_479 : vector<1x1x16xf32> to vector<16xf32>
        %add3A_481 = arith.addf %add3A_447, %get3A_480 : vector<16xf32>
        %get3A_482 = arith.constant 2 : i32
        %get3A_483 = arith.index_cast %get3A_482 : i32 to index
        %get3A_484 = arith.index_cast %add3A_474 : i32 to index
        %get3A_485 = arith.constant 16 : index
        %get3A_486 = tpu.vector_load %arg6[%get3A_483, %get3A_484, %get3A_485] {strides = array<i32>} : memref<4x200x64xf32, #tpu.memory_space<vmem>>, vector<1x1x16xf32>,
        %get3A_487 = vector.shape_cast %get3A_486 : vector<1x1x16xf32> to vector<16xf32>
        %add3A_488 = arith.addf %add3A_454, %get3A_487 : vector<16xf32>
        %get3A_489 = arith.constant 2 : i32
        %get3A_490 = arith.index_cast %get3A_489 : i32 to index
        %get3A_491 = arith.index_cast %add3A_474 : i32 to index
        %get3A_492 = arith.constant 32 : index
        %get3A_493 = tpu.vector_load %arg6[%get3A_490, %get3A_491, %get3A_492] {strides = array<i32>} : memref<4x200x64xf32, #tpu.memory_space<vmem>>, vector<1x1x16xf32>,
        %get3A_494 = vector.shape_cast %get3A_493 : vector<1x1x16xf32> to vector<16xf32>
        %add3A_495 = arith.addf %add3A_461, %get3A_494 : vector<16xf32>
        %get3A_496 = arith.constant 2 : i32
        %get3A_497 = arith.index_cast %get3A_496 : i32 to index
        %get3A_498 = arith.index_cast %add3A_474 : i32 to index
        %get3A_499 = arith.constant 48 : index
        %get3A_500 = tpu.vector_load %arg6[%get3A_497, %get3A_498, %get3A_499] {strides = array<i32>} : memref<4x200x64xf32, #tpu.memory_space<vmem>>, vector<1x1x16xf32>,
        %get3A_501 = vector.shape_cast %get3A_500 : vector<1x1x16xf32> to vector<16xf32>
        %add3A_502 = arith.addf %add3A_468, %get3A_501 : vector<16xf32>
        %scan3A_503 = arith.constant 5 : i32
        %scan3A_504 = arith.addi %scan3A_331, %scan3A_503 : i32
        %mul3A_505 = arith.constant 1 : i32
        %mul3A_506 = arith.muli %scan3A_504, %mul3A_505 : i32
        %add3A_507 = arith.constant 0 : i32
        %add3A_508 = arith.addi %add3A_507, %mul3A_506 : i32
        %get3A_509 = arith.constant 2 : i32
        %get3A_510 = arith.index_cast %get3A_509 : i32 to index
        %get3A_511 = arith.index_cast %add3A_508 : i32 to index
        %get3A_512 = arith.constant 0 : index
        %get3A_513 = tpu.vector_load %arg6[%get3A_510, %get3A_511, %get3A_512] {strides = array<i32>} : memref<4x200x64xf32, #tpu.memory_space<vmem>>, vector<1x1x16xf32>,
        %get3A_514 = vector.shape_cast %get3A_513 : vector<1x1x16xf32> to vector<16xf32>
        %add3A_515 = arith.addf %add3A_481, %get3A_514 : vector<16xf32>
        %get3A_516 = arith.constant 2 : i32
        %get3A_517 = arith.index_cast %get3A_516 : i32 to index
        %get3A_518 = arith.index_cast %add3A_508 : i32 to index
        %get3A_519 = arith.constant 16 : index
        %get3A_520 = tpu.vector_load %arg6[%get3A_517, %get3A_518, %get3A_519] {strides = array<i32>} : memref<4x200x64xf32, #tpu.memory_space<vmem>>, vector<1x1x16xf32>,
        %get3A_521 = vector.shape_cast %get3A_520 : vector<1x1x16xf32> to vector<16xf32>
        %add3A_522 = arith.addf %add3A_488, %get3A_521 : vector<16xf32>
        %get3A_523 = arith.constant 2 : i32
        %get3A_524 = arith.index_cast %get3A_523 : i32 to index
        %get3A_525 = arith.index_cast %add3A_508 : i32 to index
        %get3A_526 = arith.constant 32 : index
        %get3A_527 = tpu.vector_load %arg6[%get3A_524, %get3A_525, %get3A_526] {strides = array<i32>} : memref<4x200x64xf32, #tpu.memory_space<vmem>>, vector<1x1x16xf32>,
        %get3A_528 = vector.shape_cast %get3A_527 : vector<1x1x16xf32> to vector<16xf32>
        %add3A_529 = arith.addf %add3A_495, %get3A_528 : vector<16xf32>
        %get3A_530 = arith.constant 2 : i32
        %get3A_531 = arith.index_cast %get3A_530 : i32 to index
        %get3A_532 = arith.index_cast %add3A_508 : i32 to index
        %get3A_533 = arith.constant 48 : index
        %get3A_534 = tpu.vector_load %arg6[%get3A_531, %get3A_532, %get3A_533] {strides = array<i32>} : memref<4x200x64xf32, #tpu.memory_space<vmem>>, vector<1x1x16xf32>,
        %get3A_535 = vector.shape_cast %get3A_534 : vector<1x1x16xf32> to vector<16xf32>
        %add3A_536 = arith.addf %add3A_502, %get3A_535 : vector<16xf32>
        %scan3A_537 = arith.constant 6 : i32
        %scan3A_538 = arith.addi %scan3A_331, %scan3A_537 : i32
        %mul3A_539 = arith.constant 1 : i32
        %mul3A_540 = arith.muli %scan3A_538, %mul3A_539 : i32
        %add3A_541 = arith.constant 0 : i32
        %add3A_542 = arith.addi %add3A_541, %mul3A_540 : i32
        %get3A_543 = arith.constant 2 : i32
        %get3A_544 = arith.index_cast %get3A_543 : i32 to index
        %get3A_545 = arith.index_cast %add3A_542 : i32 to index
        %get3A_546 = arith.constant 0 : index
        %get3A_547 = tpu.vector_load %arg6[%get3A_544, %get3A_545, %get3A_546] {strides = array<i32>} : memref<4x200x64xf32, #tpu.memory_space<vmem>>, vector<1x1x16xf32>,
        %get3A_548 = vector.shape_cast %get3A_547 : vector<1x1x16xf32> to vector<16xf32>
        %add3A_549 = arith.addf %add3A_515, %get3A_548 : vector<16xf32>
        %get3A_550 = arith.constant 2 : i32
        %get3A_551 = arith.index_cast %get3A_550 : i32 to index
        %get3A_552 = arith.index_cast %add3A_542 : i32 to index
        %get3A_553 = arith.constant 16 : index
        %get3A_554 = tpu.vector_load %arg6[%get3A_551, %get3A_552, %get3A_553] {strides = array<i32>} : memref<4x200x64xf32, #tpu.memory_space<vmem>>, vector<1x1x16xf32>,
        %get3A_555 = vector.shape_cast %get3A_554 : vector<1x1x16xf32> to vector<16xf32>
        %add3A_556 = arith.addf %add3A_522, %get3A_555 : vector<16xf32>
        %get3A_557 = arith.constant 2 : i32
        %get3A_558 = arith.index_cast %get3A_557 : i32 to index
        %get3A_559 = arith.index_cast %add3A_542 : i32 to index
        %get3A_560 = arith.constant 32 : index
        %get3A_561 = tpu.vector_load %arg6[%get3A_558, %get3A_559, %get3A_560] {strides = array<i32>} : memref<4x200x64xf32, #tpu.memory_space<vmem>>, vector<1x1x16xf32>,
        %get3A_562 = vector.shape_cast %get3A_561 : vector<1x1x16xf32> to vector<16xf32>
        %add3A_563 = arith.addf %add3A_529, %get3A_562 : vector<16xf32>
        %get3A_564 = arith.constant 2 : i32
        %get3A_565 = arith.index_cast %get3A_564 : i32 to index
        %get3A_566 = arith.index_cast %add3A_542 : i32 to index
        %get3A_567 = arith.constant 48 : index
        %get3A_568 = tpu.vector_load %arg6[%get3A_565, %get3A_566, %get3A_567] {strides = array<i32>} : memref<4x200x64xf32, #tpu.memory_space<vmem>>, vector<1x1x16xf32>,
        %get3A_569 = vector.shape_cast %get3A_568 : vector<1x1x16xf32> to vector<16xf32>
        %add3A_570 = arith.addf %add3A_536, %get3A_569 : vector<16xf32>
        %scan3A_571 = arith.constant 7 : i32
        %scan3A_572 = arith.addi %scan3A_331, %scan3A_571 : i32
        %mul3A_573 = arith.constant 1 : i32
        %mul3A_574 = arith.muli %scan3A_572, %mul3A_573 : i32
        %add3A_575 = arith.constant 0 : i32
        %add3A_576 = arith.addi %add3A_575, %mul3A_574 : i32
        %get3A_577 = arith.constant 2 : i32
        %get3A_578 = arith.index_cast %get3A_577 : i32 to index
        %get3A_579 = arith.index_cast %add3A_576 : i32 to index
        %get3A_580 = arith.constant 0 : index
        %get3A_581 = tpu.vector_load %arg6[%get3A_578, %get3A_579, %get3A_580] {strides = array<i32>} : memref<4x200x64xf32, #tpu.memory_space<vmem>>, vector<1x1x16xf32>,
        %get3A_582 = vector.shape_cast %get3A_581 : vector<1x1x16xf32> to vector<16xf32>
        %add3A_583 = arith.addf %add3A_549, %get3A_582 : vector<16xf32>
        %get3A_584 = arith.constant 2 : i32
        %get3A_585 = arith.index_cast %get3A_584 : i32 to index
        %get3A_586 = arith.index_cast %add3A_576 : i32 to index
        %get3A_587 = arith.constant 16 : index
        %get3A_588 = tpu.vector_load %arg6[%get3A_585, %get3A_586, %get3A_587] {strides = array<i32>} : memref<4x200x64xf32, #tpu.memory_space<vmem>>, vector<1x1x16xf32>,
        %get3A_589 = vector.shape_cast %get3A_588 : vector<1x1x16xf32> to vector<16xf32>
        %add3A_590 = arith.addf %add3A_556, %get3A_589 : vector<16xf32>
        %get3A_591 = arith.constant 2 : i32
        %get3A_592 = arith.index_cast %get3A_591 : i32 to index
        %get3A_593 = arith.index_cast %add3A_576 : i32 to index
        %get3A_594 = arith.constant 32 : index
        %get3A_595 = tpu.vector_load %arg6[%get3A_592, %get3A_593, %get3A_594] {strides = array<i32>} : memref<4x200x64xf32, #tpu.memory_space<vmem>>, vector<1x1x16xf32>,
        %get3A_596 = vector.shape_cast %get3A_595 : vector<1x1x16xf32> to vector<16xf32>
        %add3A_597 = arith.addf %add3A_563, %get3A_596 : vector<16xf32>
        %get3A_598 = arith.constant 2 : i32
        %get3A_599 = arith.index_cast %get3A_598 : i32 to index
        %get3A_600 = arith.index_cast %add3A_576 : i32 to index
        %get3A_601 = arith.constant 48 : index
        %get3A_602 = tpu.vector_load %arg6[%get3A_599, %get3A_600, %get3A_601] {strides = array<i32>} : memref<4x200x64xf32, #tpu.memory_space<vmem>>, vector<1x1x16xf32>,
        %get3A_603 = vector.shape_cast %get3A_602 : vector<1x1x16xf32> to vector<16xf32>
        %add3A_604 = arith.addf %add3A_570, %get3A_603 : vector<16xf32>
        scf.yield %add3A_583, %add3A_590, %add3A_597, %add3A_604 : vector<16xf32>, vector<16xf32>, vector<16xf32>, vector<16xf32>
      }
      %scan3A_246 = arith.constant 200 : i32
      %swap3A_247 = arith.index_cast %add3A_218 : i32 to index
      %swap3A_248 = arith.constant 0 : index
      %swap3A_249 = tpu.vector_load %arg7[%swap3A_247, %swap3A_248] {strides = array<i32>} : memref<128x64xf32, #tpu.memory_space<vmem>>, vector<1x16xf32>,
      %swap3A_250 = vector.shape_cast %swap3A_249 : vector<1x16xf32> to vector<16xf32>
      %swap3A_251 = vector.shape_cast %scan3A_245#0 : vector<16xf32> to vector<1x16xf32>
      tpu.vector_store %arg7[%swap3A_247, %swap3A_248], %swap3A_251 {strides = array<i32>} : memref<128x64xf32, #tpu.memory_space<vmem>>, vector<1x16xf32>,
      %swap3A_252 = arith.index_cast %add3A_218 : i32 to index
      %swap3A_253 = arith.constant 16 : index
      %swap3A_254 = tpu.vector_load %arg7[%swap3A_252, %swap3A_253] {strides = array<i32>} : memref<128x64xf32, #tpu.memory_space<vmem>>, vector<1x16xf32>,
      %swap3A_255 = vector.shape_cast %swap3A_254 : vector<1x16xf32> to vector<16xf32>
      %swap3A_256 = vector.shape_cast %scan3A_245#1 : vector<16xf32> to vector<1x16xf32>
      tpu.vector_store %arg7[%swap3A_252, %swap3A_253], %swap3A_256 {strides = array<i32>} : memref<128x64xf32, #tpu.memory_space<vmem>>, vector<1x16xf32>,
      %swap3A_257 = arith.index_cast %add3A_218 : i32 to index
      %swap3A_258 = arith.constant 32 : index
      %swap3A_259 = tpu.vector_load %arg7[%swap3A_257, %swap3A_258] {strides = array<i32>} : memref<128x64xf32, #tpu.memory_space<vmem>>, vector<1x16xf32>,
      %swap3A_260 = vector.shape_cast %swap3A_259 : vector<1x16xf32> to vector<16xf32>
      %swap3A_261 = vector.shape_cast %scan3A_245#2 : vector<16xf32> to vector<1x16xf32>
      tpu.vector_store %arg7[%swap3A_257, %swap3A_258], %swap3A_261 {strides = array<i32>} : memref<128x64xf32, #tpu.memory_space<vmem>>, vector<1x16xf32>,
      %swap3A_262 = arith.index_cast %add3A_218 : i32 to index
      %swap3A_263 = arith.constant 48 : index
      %swap3A_264 = tpu.vector_load %arg7[%swap3A_262, %swap3A_263] {strides = array<i32>} : memref<128x64xf32, #tpu.memory_space<vmem>>, vector<1x16xf32>,
      %swap3A_265 = vector.shape_cast %swap3A_264 : vector<1x16xf32> to vector<16xf32>
      %swap3A_266 = vector.shape_cast %scan3A_245#3 : vector<16xf32> to vector<1x16xf32>
      tpu.vector_store %arg7[%swap3A_262, %swap3A_263], %swap3A_266 {strides = array<i32>} : memref<128x64xf32, #tpu.memory_space<vmem>>, vector<1x16xf32>,
      %add3A_267 = arith.constant 4 : i32
      %add3A_268 = arith.addi %add3A_218, %add3A_267 : i32
      %lt3A_269 = arith.constant 128 : i32
      %lt3A_270 = arith.cmpi slt, %add3A_268, %lt3A_269 : i32
      %convert_element_type3A_271 = arith.extui %lt3A_270 : i1 to i32
      %cond3A_272 = arith.constant 0 : i32
      %cond3A_273 = arith.cmpi ne, %convert_element_type3A_271, %cond3A_272 : i32
      scf.if %cond3A_273 {
        %add3A_331 = arith.constant 4 : i32
        %add3A_332 = arith.addi %add3A_218, %add3A_331 : i32
        %dma_start3A_333 = arith.constant 2 : i32
        %dma_start3A_334 = arith.constant 0 : i32
        %dma_start3A_335 = arith.constant 0 : i32
        %dma_start3A_336 = tpu.memref_slice %arg6[%dma_start3A_333, %dma_start3A_334, %dma_start3A_335] : memref<4x200x64xf32, #tpu.memory_space<vmem>> -> memref<1x104x64xf32, #tpu.memory_space<vmem>>
        %dma_start3A_337 = tpu.memref_squeeze %dma_start3A_336 : memref<1x104x64xf32, #tpu.memory_space<vmem>> -> memref<104x64xf32, #tpu.memory_space<vmem>>
        %dma_start3A_338 = arith.constant 0 : i32
        %dma_start3A_339 = tpu.memref_slice %arg5[%add3A_332, %dma_start3A_338] : memref<128x200xi32, #tpu.memory_space<vmem>> -> memref<1x104xi32, #tpu.memory_space<vmem>>
        %dma_start3A_340 = tpu.memref_squeeze %dma_start3A_339 : memref<1x104xi32, #tpu.memory_space<vmem>> -> memref<104xi32, #tpu.memory_space<vmem>>
        %dma_start3A_341 = arith.constant 0 : i32
        %dma_start3A_342 = arith.constant 0 : i32
        %dma_start3A_343 = tpu.memref_slice %arg3[%dma_start3A_341, %dma_start3A_342] : memref<1000000x64xf32, #tpu.memory_space<hbm>> -> memref<1000000x64xf32, #tpu.memory_space<hbm>>
        tpu.enqueue_indirect_dma source(%dma_start3A_343 : memref<1000000x64xf32, #tpu.memory_space<hbm>>) target(%dma_start3A_337 : memref<104x64xf32, #tpu.memory_space<vmem>>) offsets(%dma_start3A_340 : memref<104xi32, #tpu.memory_space<vmem>>) semaphore(%arg10 : memref<!tpu.dma_semaphore, #tpu.memory_space<semaphore_mem>>)
        %dma_start3A_344 = arith.constant 2 : i32
        %dma_start3A_345 = arith.constant 104 : i32
        %dma_start3A_346 = arith.constant 0 : i32
        %dma_start3A_347 = tpu.memref_slice %arg6[%dma_start3A_344, %dma_start3A_345, %dma_start3A_346] : memref<4x200x64xf32, #tpu.memory_space<vmem>> -> memref<1x96x64xf32, #tpu.memory_space<vmem>>
        %dma_start3A_348 = tpu.memref_squeeze %dma_start3A_347 : memref<1x96x64xf32, #tpu.memory_space<vmem>> -> memref<96x64xf32, #tpu.memory_space<vmem>>
        %dma_start3A_349 = arith.constant 104 : i32
        %dma_start3A_350 = tpu.memref_slice %arg5[%add3A_332, %dma_start3A_349] : memref<128x200xi32, #tpu.memory_space<vmem>> -> memref<1x96xi32, #tpu.memory_space<vmem>>
        %dma_start3A_351 = tpu.memref_squeeze %dma_start3A_350 : memref<1x96xi32, #tpu.memory_space<vmem>> -> memref<96xi32, #tpu.memory_space<vmem>>
        %dma_start3A_352 = arith.constant 0 : i32
        %dma_start3A_353 = arith.constant 0 : i32
        %dma_start3A_354 = tpu.memref_slice %arg3[%dma_start3A_352, %dma_start3A_353] : memref<1000000x64xf32, #tpu.memory_space<hbm>> -> memref<1000000x64xf32, #tpu.memory_space<hbm>>
        tpu.enqueue_indirect_dma source(%dma_start3A_354 : memref<1000000x64xf32, #tpu.memory_space<hbm>>) target(%dma_start3A_348 : memref<96x64xf32, #tpu.memory_space<vmem>>) offsets(%dma_start3A_351 : memref<96xi32, #tpu.memory_space<vmem>>) semaphore(%arg10 : memref<!tpu.dma_semaphore, #tpu.memory_space<semaphore_mem>>)
      } else {
      }
      %add3A_274 = arith.constant 3 : i32
      %add3A_275 = arith.addi %add3A_107, %add3A_274 : i32
      %dma_wait3A_276 = arith.constant 3 : i32
      %dma_wait3A_277 = arith.constant 0 : i32
      %dma_wait3A_278 = arith.constant 0 : i32
      %dma_wait3A_279 = tpu.memref_slice %arg6[%dma_wait3A_276, %dma_wait3A_277, %dma_wait3A_278] : memref<4x200x64xf32, #tpu.memory_space<vmem>> -> memref<1x104x64xf32, #tpu.memory_space<vmem>>
      %dma_wait3A_280 = tpu.memref_squeeze %dma_wait3A_279 : memref<1x104x64xf32, #tpu.memory_space<vmem>> -> memref<104x64xf32, #tpu.memory_space<vmem>>
      %dma_wait3A_281 = arith.constant 0 : i32
      %dma_wait3A_282 = tpu.memref_slice %arg5[%add3A_275, %dma_wait3A_281] : memref<128x200xi32, #tpu.memory_space<vmem>> -> memref<1x104xi32, #tpu.memory_space<vmem>>
      %dma_wait3A_283 = tpu.memref_squeeze %dma_wait3A_282 : memref<1x104xi32, #tpu.memory_space<vmem>> -> memref<104xi32, #tpu.memory_space<vmem>>
      %dma_wait3A_284 = arith.constant 0 : i32
      %dma_wait3A_285 = arith.constant 0 : i32
      %dma_wait3A_286 = tpu.memref_slice %arg3[%dma_wait3A_284, %dma_wait3A_285] : memref<1000000x64xf32, #tpu.memory_space<hbm>> -> memref<1000000x64xf32, #tpu.memory_space<hbm>>
      tpu.wait_indirect_dma semaphore(%arg11 : memref<!tpu.dma_semaphore, #tpu.memory_space<semaphore_mem>>) src(%dma_wait3A_286 : memref<1000000x64xf32, #tpu.memory_space<hbm>>) dst(%dma_wait3A_280 : memref<104x64xf32, #tpu.memory_space<vmem>>)
      %dma_wait3A_287 = arith.constant 3 : i32
      %dma_wait3A_288 = arith.constant 104 : i32
      %dma_wait3A_289 = arith.constant 0 : i32
      %dma_wait3A_290 = tpu.memref_slice %arg6[%dma_wait3A_287, %dma_wait3A_288, %dma_wait3A_289] : memref<4x200x64xf32, #tpu.memory_space<vmem>> -> memref<1x96x64xf32, #tpu.memory_space<vmem>>
      %dma_wait3A_291 = tpu.memref_squeeze %dma_wait3A_290 : memref<1x96x64xf32, #tpu.memory_space<vmem>> -> memref<96x64xf32, #tpu.memory_space<vmem>>
      %dma_wait3A_292 = arith.constant 104 : i32
      %dma_wait3A_293 = tpu.memref_slice %arg5[%add3A_275, %dma_wait3A_292] : memref<128x200xi32, #tpu.memory_space<vmem>> -> memref<1x96xi32, #tpu.memory_space<vmem>>
      %dma_wait3A_294 = tpu.memref_squeeze %dma_wait3A_293 : memref<1x96xi32, #tpu.memory_space<vmem>> -> memref<96xi32, #tpu.memory_space<vmem>>
      %dma_wait3A_295 = arith.constant 0 : i32
      %dma_wait3A_296 = arith.constant 0 : i32
      %dma_wait3A_297 = tpu.memref_slice %arg3[%dma_wait3A_295, %dma_wait3A_296] : memref<1000000x64xf32, #tpu.memory_space<hbm>> -> memref<1000000x64xf32, #tpu.memory_space<hbm>>
      tpu.wait_indirect_dma semaphore(%arg11 : memref<!tpu.dma_semaphore, #tpu.memory_space<semaphore_mem>>) src(%dma_wait3A_297 : memref<1000000x64xf32, #tpu.memory_space<hbm>>) dst(%dma_wait3A_291 : memref<96x64xf32, #tpu.memory_space<vmem>>)
      %scan3A_298 = arith.constant 0 : i32
      %scan3A_299 = arith.constant 200 : i32
      %scan3A_300 = arith.addi %scan3A_298, %scan3A_299 : i32
      %scan3A_301 = arith.constant 8 : i32
      %scan3A_302:4 = scf.for %scan3A_331 = %scan3A_298 to %scan3A_300 step %scan3A_301 iter_args(%scan3A_332 = %broadcast_in_dim3A_3, %scan3A_333 = %broadcast_in_dim3A_3, %scan3A_334 = %broadcast_in_dim3A_3, %scan3A_335 = %broadcast_in_dim3A_3) -> (vector<16xf32>, vector<16xf32>, vector<16xf32>, vector<16xf32>)  : i32 {
        %mul3A_336 = arith.constant 1 : i32
        %mul3A_337 = arith.muli %scan3A_331, %mul3A_336 : i32
        %add3A_338 = arith.constant 0 : i32
        %add3A_339 = arith.addi %add3A_338, %mul3A_337 : i32
        %get3A = arith.constant 3 : i32
        %get3A_340 = arith.index_cast %get3A : i32 to index
        %get3A_341 = arith.index_cast %add3A_339 : i32 to index
        %get3A_342 = arith.constant 0 : index
        %get3A_343 = tpu.vector_load %arg6[%get3A_340, %get3A_341, %get3A_342] {strides = array<i32>} : memref<4x200x64xf32, #tpu.memory_space<vmem>>, vector<1x1x16xf32>,
        %get3A_344 = vector.shape_cast %get3A_343 : vector<1x1x16xf32> to vector<16xf32>
        %add3A_345 = arith.addf %scan3A_332, %get3A_344 : vector<16xf32>
        %get3A_346 = arith.constant 3 : i32
        %get3A_347 = arith.index_cast %get3A_346 : i32 to index
        %get3A_348 = arith.index_cast %add3A_339 : i32 to index
        %get3A_349 = arith.constant 16 : index
        %get3A_350 = tpu.vector_load %arg6[%get3A_347, %get3A_348, %get3A_349] {strides = array<i32>} : memref<4x200x64xf32, #tpu.memory_space<vmem>>, vector<1x1x16xf32>,
        %get3A_351 = vector.shape_cast %get3A_350 : vector<1x1x16xf32> to vector<16xf32>
        %add3A_352 = arith.addf %scan3A_333, %get3A_351 : vector<16xf32>
        %get3A_353 = arith.constant 3 : i32
        %get3A_354 = arith.index_cast %get3A_353 : i32 to index
        %get3A_355 = arith.index_cast %add3A_339 : i32 to index
        %get3A_356 = arith.constant 32 : index
        %get3A_357 = tpu.vector_load %arg6[%get3A_354, %get3A_355, %get3A_356] {strides = array<i32>} : memref<4x200x64xf32, #tpu.memory_space<vmem>>, vector<1x1x16xf32>,
        %get3A_358 = vector.shape_cast %get3A_357 : vector<1x1x16xf32> to vector<16xf32>
        %add3A_359 = arith.addf %scan3A_334, %get3A_358 : vector<16xf32>
        %get3A_360 = arith.constant 3 : i32
        %get3A_361 = arith.index_cast %get3A_360 : i32 to index
        %get3A_362 = arith.index_cast %add3A_339 : i32 to index
        %get3A_363 = arith.constant 48 : index
        %get3A_364 = tpu.vector_load %arg6[%get3A_361, %get3A_362, %get3A_363] {strides = array<i32>} : memref<4x200x64xf32, #tpu.memory_space<vmem>>, vector<1x1x16xf32>,
        %get3A_365 = vector.shape_cast %get3A_364 : vector<1x1x16xf32> to vector<16xf32>
        %add3A_366 = arith.addf %scan3A_335, %get3A_365 : vector<16xf32>
        %scan3A_367 = arith.constant 1 : i32
        %scan3A_368 = arith.addi %scan3A_331, %scan3A_367 : i32
        %mul3A_369 = arith.constant 1 : i32
        %mul3A_370 = arith.muli %scan3A_368, %mul3A_369 : i32
        %add3A_371 = arith.constant 0 : i32
        %add3A_372 = arith.addi %add3A_371, %mul3A_370 : i32
        %get3A_373 = arith.constant 3 : i32
        %get3A_374 = arith.index_cast %get3A_373 : i32 to index
        %get3A_375 = arith.index_cast %add3A_372 : i32 to index
        %get3A_376 = arith.constant 0 : index
        %get3A_377 = tpu.vector_load %arg6[%get3A_374, %get3A_375, %get3A_376] {strides = array<i32>} : memref<4x200x64xf32, #tpu.memory_space<vmem>>, vector<1x1x16xf32>,
        %get3A_378 = vector.shape_cast %get3A_377 : vector<1x1x16xf32> to vector<16xf32>
        %add3A_379 = arith.addf %add3A_345, %get3A_378 : vector<16xf32>
        %get3A_380 = arith.constant 3 : i32
        %get3A_381 = arith.index_cast %get3A_380 : i32 to index
        %get3A_382 = arith.index_cast %add3A_372 : i32 to index
        %get3A_383 = arith.constant 16 : index
        %get3A_384 = tpu.vector_load %arg6[%get3A_381, %get3A_382, %get3A_383] {strides = array<i32>} : memref<4x200x64xf32, #tpu.memory_space<vmem>>, vector<1x1x16xf32>,
        %get3A_385 = vector.shape_cast %get3A_384 : vector<1x1x16xf32> to vector<16xf32>
        %add3A_386 = arith.addf %add3A_352, %get3A_385 : vector<16xf32>
        %get3A_387 = arith.constant 3 : i32
        %get3A_388 = arith.index_cast %get3A_387 : i32 to index
        %get3A_389 = arith.index_cast %add3A_372 : i32 to index
        %get3A_390 = arith.constant 32 : index
        %get3A_391 = tpu.vector_load %arg6[%get3A_388, %get3A_389, %get3A_390] {strides = array<i32>} : memref<4x200x64xf32, #tpu.memory_space<vmem>>, vector<1x1x16xf32>,
        %get3A_392 = vector.shape_cast %get3A_391 : vector<1x1x16xf32> to vector<16xf32>
        %add3A_393 = arith.addf %add3A_359, %get3A_392 : vector<16xf32>
        %get3A_394 = arith.constant 3 : i32
        %get3A_395 = arith.index_cast %get3A_394 : i32 to index
        %get3A_396 = arith.index_cast %add3A_372 : i32 to index
        %get3A_397 = arith.constant 48 : index
        %get3A_398 = tpu.vector_load %arg6[%get3A_395, %get3A_396, %get3A_397] {strides = array<i32>} : memref<4x200x64xf32, #tpu.memory_space<vmem>>, vector<1x1x16xf32>,
        %get3A_399 = vector.shape_cast %get3A_398 : vector<1x1x16xf32> to vector<16xf32>
        %add3A_400 = arith.addf %add3A_366, %get3A_399 : vector<16xf32>
        %scan3A_401 = arith.constant 2 : i32
        %scan3A_402 = arith.addi %scan3A_331, %scan3A_401 : i32
        %mul3A_403 = arith.constant 1 : i32
        %mul3A_404 = arith.muli %scan3A_402, %mul3A_403 : i32
        %add3A_405 = arith.constant 0 : i32
        %add3A_406 = arith.addi %add3A_405, %mul3A_404 : i32
        %get3A_407 = arith.constant 3 : i32
        %get3A_408 = arith.index_cast %get3A_407 : i32 to index
        %get3A_409 = arith.index_cast %add3A_406 : i32 to index
        %get3A_410 = arith.constant 0 : index
        %get3A_411 = tpu.vector_load %arg6[%get3A_408, %get3A_409, %get3A_410] {strides = array<i32>} : memref<4x200x64xf32, #tpu.memory_space<vmem>>, vector<1x1x16xf32>,
        %get3A_412 = vector.shape_cast %get3A_411 : vector<1x1x16xf32> to vector<16xf32>
        %add3A_413 = arith.addf %add3A_379, %get3A_412 : vector<16xf32>
        %get3A_414 = arith.constant 3 : i32
        %get3A_415 = arith.index_cast %get3A_414 : i32 to index
        %get3A_416 = arith.index_cast %add3A_406 : i32 to index
        %get3A_417 = arith.constant 16 : index
        %get3A_418 = tpu.vector_load %arg6[%get3A_415, %get3A_416, %get3A_417] {strides = array<i32>} : memref<4x200x64xf32, #tpu.memory_space<vmem>>, vector<1x1x16xf32>,
        %get3A_419 = vector.shape_cast %get3A_418 : vector<1x1x16xf32> to vector<16xf32>
        %add3A_420 = arith.addf %add3A_386, %get3A_419 : vector<16xf32>
        %get3A_421 = arith.constant 3 : i32
        %get3A_422 = arith.index_cast %get3A_421 : i32 to index
        %get3A_423 = arith.index_cast %add3A_406 : i32 to index
        %get3A_424 = arith.constant 32 : index
        %get3A_425 = tpu.vector_load %arg6[%get3A_422, %get3A_423, %get3A_424] {strides = array<i32>} : memref<4x200x64xf32, #tpu.memory_space<vmem>>, vector<1x1x16xf32>,
        %get3A_426 = vector.shape_cast %get3A_425 : vector<1x1x16xf32> to vector<16xf32>
        %add3A_427 = arith.addf %add3A_393, %get3A_426 : vector<16xf32>
        %get3A_428 = arith.constant 3 : i32
        %get3A_429 = arith.index_cast %get3A_428 : i32 to index
        %get3A_430 = arith.index_cast %add3A_406 : i32 to index
        %get3A_431 = arith.constant 48 : index
        %get3A_432 = tpu.vector_load %arg6[%get3A_429, %get3A_430, %get3A_431] {strides = array<i32>} : memref<4x200x64xf32, #tpu.memory_space<vmem>>, vector<1x1x16xf32>,
        %get3A_433 = vector.shape_cast %get3A_432 : vector<1x1x16xf32> to vector<16xf32>
        %add3A_434 = arith.addf %add3A_400, %get3A_433 : vector<16xf32>
        %scan3A_435 = arith.constant 3 : i32
        %scan3A_436 = arith.addi %scan3A_331, %scan3A_435 : i32
        %mul3A_437 = arith.constant 1 : i32
        %mul3A_438 = arith.muli %scan3A_436, %mul3A_437 : i32
        %add3A_439 = arith.constant 0 : i32
        %add3A_440 = arith.addi %add3A_439, %mul3A_438 : i32
        %get3A_441 = arith.constant 3 : i32
        %get3A_442 = arith.index_cast %get3A_441 : i32 to index
        %get3A_443 = arith.index_cast %add3A_440 : i32 to index
        %get3A_444 = arith.constant 0 : index
        %get3A_445 = tpu.vector_load %arg6[%get3A_442, %get3A_443, %get3A_444] {strides = array<i32>} : memref<4x200x64xf32, #tpu.memory_space<vmem>>, vector<1x1x16xf32>,
        %get3A_446 = vector.shape_cast %get3A_445 : vector<1x1x16xf32> to vector<16xf32>
        %add3A_447 = arith.addf %add3A_413, %get3A_446 : vector<16xf32>
        %get3A_448 = arith.constant 3 : i32
        %get3A_449 = arith.index_cast %get3A_448 : i32 to index
        %get3A_450 = arith.index_cast %add3A_440 : i32 to index
        %get3A_451 = arith.constant 16 : index
        %get3A_452 = tpu.vector_load %arg6[%get3A_449, %get3A_450, %get3A_451] {strides = array<i32>} : memref<4x200x64xf32, #tpu.memory_space<vmem>>, vector<1x1x16xf32>,
        %get3A_453 = vector.shape_cast %get3A_452 : vector<1x1x16xf32> to vector<16xf32>
        %add3A_454 = arith.addf %add3A_420, %get3A_453 : vector<16xf32>
        %get3A_455 = arith.constant 3 : i32
        %get3A_456 = arith.index_cast %get3A_455 : i32 to index
        %get3A_457 = arith.index_cast %add3A_440 : i32 to index
        %get3A_458 = arith.constant 32 : index
        %get3A_459 = tpu.vector_load %arg6[%get3A_456, %get3A_457, %get3A_458] {strides = array<i32>} : memref<4x200x64xf32, #tpu.memory_space<vmem>>, vector<1x1x16xf32>,
        %get3A_460 = vector.shape_cast %get3A_459 : vector<1x1x16xf32> to vector<16xf32>
        %add3A_461 = arith.addf %add3A_427, %get3A_460 : vector<16xf32>
        %get3A_462 = arith.constant 3 : i32
        %get3A_463 = arith.index_cast %get3A_462 : i32 to index
        %get3A_464 = arith.index_cast %add3A_440 : i32 to index
        %get3A_465 = arith.constant 48 : index
        %get3A_466 = tpu.vector_load %arg6[%get3A_463, %get3A_464, %get3A_465] {strides = array<i32>} : memref<4x200x64xf32, #tpu.memory_space<vmem>>, vector<1x1x16xf32>,
        %get3A_467 = vector.shape_cast %get3A_466 : vector<1x1x16xf32> to vector<16xf32>
        %add3A_468 = arith.addf %add3A_434, %get3A_467 : vector<16xf32>
        %scan3A_469 = arith.constant 4 : i32
        %scan3A_470 = arith.addi %scan3A_331, %scan3A_469 : i32
        %mul3A_471 = arith.constant 1 : i32
        %mul3A_472 = arith.muli %scan3A_470, %mul3A_471 : i32
        %add3A_473 = arith.constant 0 : i32
        %add3A_474 = arith.addi %add3A_473, %mul3A_472 : i32
        %get3A_475 = arith.constant 3 : i32
        %get3A_476 = arith.index_cast %get3A_475 : i32 to index
        %get3A_477 = arith.index_cast %add3A_474 : i32 to index
        %get3A_478 = arith.constant 0 : index
        %get3A_479 = tpu.vector_load %arg6[%get3A_476, %get3A_477, %get3A_478] {strides = array<i32>} : memref<4x200x64xf32, #tpu.memory_space<vmem>>, vector<1x1x16xf32>,
        %get3A_480 = vector.shape_cast %get3A_479 : vector<1x1x16xf32> to vector<16xf32>
        %add3A_481 = arith.addf %add3A_447, %get3A_480 : vector<16xf32>
        %get3A_482 = arith.constant 3 : i32
        %get3A_483 = arith.index_cast %get3A_482 : i32 to index
        %get3A_484 = arith.index_cast %add3A_474 : i32 to index
        %get3A_485 = arith.constant 16 : index
        %get3A_486 = tpu.vector_load %arg6[%get3A_483, %get3A_484, %get3A_485] {strides = array<i32>} : memref<4x200x64xf32, #tpu.memory_space<vmem>>, vector<1x1x16xf32>,
        %get3A_487 = vector.shape_cast %get3A_486 : vector<1x1x16xf32> to vector<16xf32>
        %add3A_488 = arith.addf %add3A_454, %get3A_487 : vector<16xf32>
        %get3A_489 = arith.constant 3 : i32
        %get3A_490 = arith.index_cast %get3A_489 : i32 to index
        %get3A_491 = arith.index_cast %add3A_474 : i32 to index
        %get3A_492 = arith.constant 32 : index
        %get3A_493 = tpu.vector_load %arg6[%get3A_490, %get3A_491, %get3A_492] {strides = array<i32>} : memref<4x200x64xf32, #tpu.memory_space<vmem>>, vector<1x1x16xf32>,
        %get3A_494 = vector.shape_cast %get3A_493 : vector<1x1x16xf32> to vector<16xf32>
        %add3A_495 = arith.addf %add3A_461, %get3A_494 : vector<16xf32>
        %get3A_496 = arith.constant 3 : i32
        %get3A_497 = arith.index_cast %get3A_496 : i32 to index
        %get3A_498 = arith.index_cast %add3A_474 : i32 to index
        %get3A_499 = arith.constant 48 : index
        %get3A_500 = tpu.vector_load %arg6[%get3A_497, %get3A_498, %get3A_499] {strides = array<i32>} : memref<4x200x64xf32, #tpu.memory_space<vmem>>, vector<1x1x16xf32>,
        %get3A_501 = vector.shape_cast %get3A_500 : vector<1x1x16xf32> to vector<16xf32>
        %add3A_502 = arith.addf %add3A_468, %get3A_501 : vector<16xf32>
        %scan3A_503 = arith.constant 5 : i32
        %scan3A_504 = arith.addi %scan3A_331, %scan3A_503 : i32
        %mul3A_505 = arith.constant 1 : i32
        %mul3A_506 = arith.muli %scan3A_504, %mul3A_505 : i32
        %add3A_507 = arith.constant 0 : i32
        %add3A_508 = arith.addi %add3A_507, %mul3A_506 : i32
        %get3A_509 = arith.constant 3 : i32
        %get3A_510 = arith.index_cast %get3A_509 : i32 to index
        %get3A_511 = arith.index_cast %add3A_508 : i32 to index
        %get3A_512 = arith.constant 0 : index
        %get3A_513 = tpu.vector_load %arg6[%get3A_510, %get3A_511, %get3A_512] {strides = array<i32>} : memref<4x200x64xf32, #tpu.memory_space<vmem>>, vector<1x1x16xf32>,
        %get3A_514 = vector.shape_cast %get3A_513 : vector<1x1x16xf32> to vector<16xf32>
        %add3A_515 = arith.addf %add3A_481, %get3A_514 : vector<16xf32>
        %get3A_516 = arith.constant 3 : i32
        %get3A_517 = arith.index_cast %get3A_516 : i32 to index
        %get3A_518 = arith.index_cast %add3A_508 : i32 to index
        %get3A_519 = arith.constant 16 : index
        %get3A_520 = tpu.vector_load %arg6[%get3A_517, %get3A_518, %get3A_519] {strides = array<i32>} : memref<4x200x64xf32, #tpu.memory_space<vmem>>, vector<1x1x16xf32>,
        %get3A_521 = vector.shape_cast %get3A_520 : vector<1x1x16xf32> to vector<16xf32>
        %add3A_522 = arith.addf %add3A_488, %get3A_521 : vector<16xf32>
        %get3A_523 = arith.constant 3 : i32
        %get3A_524 = arith.index_cast %get3A_523 : i32 to index
        %get3A_525 = arith.index_cast %add3A_508 : i32 to index
        %get3A_526 = arith.constant 32 : index
        %get3A_527 = tpu.vector_load %arg6[%get3A_524, %get3A_525, %get3A_526] {strides = array<i32>} : memref<4x200x64xf32, #tpu.memory_space<vmem>>, vector<1x1x16xf32>,
        %get3A_528 = vector.shape_cast %get3A_527 : vector<1x1x16xf32> to vector<16xf32>
        %add3A_529 = arith.addf %add3A_495, %get3A_528 : vector<16xf32>
        %get3A_530 = arith.constant 3 : i32
        %get3A_531 = arith.index_cast %get3A_530 : i32 to index
        %get3A_532 = arith.index_cast %add3A_508 : i32 to index
        %get3A_533 = arith.constant 48 : index
        %get3A_534 = tpu.vector_load %arg6[%get3A_531, %get3A_532, %get3A_533] {strides = array<i32>} : memref<4x200x64xf32, #tpu.memory_space<vmem>>, vector<1x1x16xf32>,
        %get3A_535 = vector.shape_cast %get3A_534 : vector<1x1x16xf32> to vector<16xf32>
        %add3A_536 = arith.addf %add3A_502, %get3A_535 : vector<16xf32>
        %scan3A_537 = arith.constant 6 : i32
        %scan3A_538 = arith.addi %scan3A_331, %scan3A_537 : i32
        %mul3A_539 = arith.constant 1 : i32
        %mul3A_540 = arith.muli %scan3A_538, %mul3A_539 : i32
        %add3A_541 = arith.constant 0 : i32
        %add3A_542 = arith.addi %add3A_541, %mul3A_540 : i32
        %get3A_543 = arith.constant 3 : i32
        %get3A_544 = arith.index_cast %get3A_543 : i32 to index
        %get3A_545 = arith.index_cast %add3A_542 : i32 to index
        %get3A_546 = arith.constant 0 : index
        %get3A_547 = tpu.vector_load %arg6[%get3A_544, %get3A_545, %get3A_546] {strides = array<i32>} : memref<4x200x64xf32, #tpu.memory_space<vmem>>, vector<1x1x16xf32>,
        %get3A_548 = vector.shape_cast %get3A_547 : vector<1x1x16xf32> to vector<16xf32>
        %add3A_549 = arith.addf %add3A_515, %get3A_548 : vector<16xf32>
        %get3A_550 = arith.constant 3 : i32
        %get3A_551 = arith.index_cast %get3A_550 : i32 to index
        %get3A_552 = arith.index_cast %add3A_542 : i32 to index
        %get3A_553 = arith.constant 16 : index
        %get3A_554 = tpu.vector_load %arg6[%get3A_551, %get3A_552, %get3A_553] {strides = array<i32>} : memref<4x200x64xf32, #tpu.memory_space<vmem>>, vector<1x1x16xf32>,
        %get3A_555 = vector.shape_cast %get3A_554 : vector<1x1x16xf32> to vector<16xf32>
        %add3A_556 = arith.addf %add3A_522, %get3A_555 : vector<16xf32>
        %get3A_557 = arith.constant 3 : i32
        %get3A_558 = arith.index_cast %get3A_557 : i32 to index
        %get3A_559 = arith.index_cast %add3A_542 : i32 to index
        %get3A_560 = arith.constant 32 : index
        %get3A_561 = tpu.vector_load %arg6[%get3A_558, %get3A_559, %get3A_560] {strides = array<i32>} : memref<4x200x64xf32, #tpu.memory_space<vmem>>, vector<1x1x16xf32>,
        %get3A_562 = vector.shape_cast %get3A_561 : vector<1x1x16xf32> to vector<16xf32>
        %add3A_563 = arith.addf %add3A_529, %get3A_562 : vector<16xf32>
        %get3A_564 = arith.constant 3 : i32
        %get3A_565 = arith.index_cast %get3A_564 : i32 to index
        %get3A_566 = arith.index_cast %add3A_542 : i32 to index
        %get3A_567 = arith.constant 48 : index
        %get3A_568 = tpu.vector_load %arg6[%get3A_565, %get3A_566, %get3A_567] {strides = array<i32>} : memref<4x200x64xf32, #tpu.memory_space<vmem>>, vector<1x1x16xf32>,
        %get3A_569 = vector.shape_cast %get3A_568 : vector<1x1x16xf32> to vector<16xf32>
        %add3A_570 = arith.addf %add3A_536, %get3A_569 : vector<16xf32>
        %scan3A_571 = arith.constant 7 : i32
        %scan3A_572 = arith.addi %scan3A_331, %scan3A_571 : i32
        %mul3A_573 = arith.constant 1 : i32
        %mul3A_574 = arith.muli %scan3A_572, %mul3A_573 : i32
        %add3A_575 = arith.constant 0 : i32
        %add3A_576 = arith.addi %add3A_575, %mul3A_574 : i32
        %get3A_577 = arith.constant 3 : i32
        %get3A_578 = arith.index_cast %get3A_577 : i32 to index
        %get3A_579 = arith.index_cast %add3A_576 : i32 to index
        %get3A_580 = arith.constant 0 : index
        %get3A_581 = tpu.vector_load %arg6[%get3A_578, %get3A_579, %get3A_580] {strides = array<i32>} : memref<4x200x64xf32, #tpu.memory_space<vmem>>, vector<1x1x16xf32>,
        %get3A_582 = vector.shape_cast %get3A_581 : vector<1x1x16xf32> to vector<16xf32>
        %add3A_583 = arith.addf %add3A_549, %get3A_582 : vector<16xf32>
        %get3A_584 = arith.constant 3 : i32
        %get3A_585 = arith.index_cast %get3A_584 : i32 to index
        %get3A_586 = arith.index_cast %add3A_576 : i32 to index
        %get3A_587 = arith.constant 16 : index
        %get3A_588 = tpu.vector_load %arg6[%get3A_585, %get3A_586, %get3A_587] {strides = array<i32>} : memref<4x200x64xf32, #tpu.memory_space<vmem>>, vector<1x1x16xf32>,
        %get3A_589 = vector.shape_cast %get3A_588 : vector<1x1x16xf32> to vector<16xf32>
        %add3A_590 = arith.addf %add3A_556, %get3A_589 : vector<16xf32>
        %get3A_591 = arith.constant 3 : i32
        %get3A_592 = arith.index_cast %get3A_591 : i32 to index
        %get3A_593 = arith.index_cast %add3A_576 : i32 to index
        %get3A_594 = arith.constant 32 : index
        %get3A_595 = tpu.vector_load %arg6[%get3A_592, %get3A_593, %get3A_594] {strides = array<i32>} : memref<4x200x64xf32, #tpu.memory_space<vmem>>, vector<1x1x16xf32>,
        %get3A_596 = vector.shape_cast %get3A_595 : vector<1x1x16xf32> to vector<16xf32>
        %add3A_597 = arith.addf %add3A_563, %get3A_596 : vector<16xf32>
        %get3A_598 = arith.constant 3 : i32
        %get3A_599 = arith.index_cast %get3A_598 : i32 to index
        %get3A_600 = arith.index_cast %add3A_576 : i32 to index
        %get3A_601 = arith.constant 48 : index
        %get3A_602 = tpu.vector_load %arg6[%get3A_599, %get3A_600, %get3A_601] {strides = array<i32>} : memref<4x200x64xf32, #tpu.memory_space<vmem>>, vector<1x1x16xf32>,
        %get3A_603 = vector.shape_cast %get3A_602 : vector<1x1x16xf32> to vector<16xf32>
        %add3A_604 = arith.addf %add3A_570, %get3A_603 : vector<16xf32>
        scf.yield %add3A_583, %add3A_590, %add3A_597, %add3A_604 : vector<16xf32>, vector<16xf32>, vector<16xf32>, vector<16xf32>
      }
      %scan3A_303 = arith.constant 200 : i32
      %swap3A_304 = arith.index_cast %add3A_275 : i32 to index
      %swap3A_305 = arith.constant 0 : index
      %swap3A_306 = tpu.vector_load %arg7[%swap3A_304, %swap3A_305] {strides = array<i32>} : memref<128x64xf32, #tpu.memory_space<vmem>>, vector<1x16xf32>,
      %swap3A_307 = vector.shape_cast %swap3A_306 : vector<1x16xf32> to vector<16xf32>
      %swap3A_308 = vector.shape_cast %scan3A_302#0 : vector<16xf32> to vector<1x16xf32>
      tpu.vector_store %arg7[%swap3A_304, %swap3A_305], %swap3A_308 {strides = array<i32>} : memref<128x64xf32, #tpu.memory_space<vmem>>, vector<1x16xf32>,
      %swap3A_309 = arith.index_cast %add3A_275 : i32 to index
      %swap3A_310 = arith.constant 16 : index
      %swap3A_311 = tpu.vector_load %arg7[%swap3A_309, %swap3A_310] {strides = array<i32>} : memref<128x64xf32, #tpu.memory_space<vmem>>, vector<1x16xf32>,
      %swap3A_312 = vector.shape_cast %swap3A_311 : vector<1x16xf32> to vector<16xf32>
      %swap3A_313 = vector.shape_cast %scan3A_302#1 : vector<16xf32> to vector<1x16xf32>
      tpu.vector_store %arg7[%swap3A_309, %swap3A_310], %swap3A_313 {strides = array<i32>} : memref<128x64xf32, #tpu.memory_space<vmem>>, vector<1x16xf32>,
      %swap3A_314 = arith.index_cast %add3A_275 : i32 to index
      %swap3A_315 = arith.constant 32 : index
      %swap3A_316 = tpu.vector_load %arg7[%swap3A_314, %swap3A_315] {strides = array<i32>} : memref<128x64xf32, #tpu.memory_space<vmem>>, vector<1x16xf32>,
      %swap3A_317 = vector.shape_cast %swap3A_316 : vector<1x16xf32> to vector<16xf32>
      %swap3A_318 = vector.shape_cast %scan3A_302#2 : vector<16xf32> to vector<1x16xf32>
      tpu.vector_store %arg7[%swap3A_314, %swap3A_315], %swap3A_318 {strides = array<i32>} : memref<128x64xf32, #tpu.memory_space<vmem>>, vector<1x16xf32>,
      %swap3A_319 = arith.index_cast %add3A_275 : i32 to index
      %swap3A_320 = arith.constant 48 : index
      %swap3A_321 = tpu.vector_load %arg7[%swap3A_319, %swap3A_320] {strides = array<i32>} : memref<128x64xf32, #tpu.memory_space<vmem>>, vector<1x16xf32>,
      %swap3A_322 = vector.shape_cast %swap3A_321 : vector<1x16xf32> to vector<16xf32>
      %swap3A_323 = vector.shape_cast %scan3A_302#3 : vector<16xf32> to vector<1x16xf32>
      tpu.vector_store %arg7[%swap3A_319, %swap3A_320], %swap3A_323 {strides = array<i32>} : memref<128x64xf32, #tpu.memory_space<vmem>>, vector<1x16xf32>,
      %add3A_324 = arith.constant 4 : i32
      %add3A_325 = arith.addi %add3A_275, %add3A_324 : i32
      %lt3A_326 = arith.constant 128 : i32
      %lt3A_327 = arith.cmpi slt, %add3A_325, %lt3A_326 : i32
      %convert_element_type3A_328 = arith.extui %lt3A_327 : i1 to i32
      %cond3A_329 = arith.constant 0 : i32
      %cond3A_330 = arith.cmpi ne, %convert_element_type3A_328, %cond3A_329 : i32
      scf.if %cond3A_330 {
        %add3A_331 = arith.constant 4 : i32
        %add3A_332 = arith.addi %add3A_275, %add3A_331 : i32
        %dma_start3A_333 = arith.constant 3 : i32
        %dma_start3A_334 = arith.constant 0 : i32
        %dma_start3A_335 = arith.constant 0 : i32
        %dma_start3A_336 = tpu.memref_slice %arg6[%dma_start3A_333, %dma_start3A_334, %dma_start3A_335] : memref<4x200x64xf32, #tpu.memory_space<vmem>> -> memref<1x104x64xf32, #tpu.memory_space<vmem>>
        %dma_start3A_337 = tpu.memref_squeeze %dma_start3A_336 : memref<1x104x64xf32, #tpu.memory_space<vmem>> -> memref<104x64xf32, #tpu.memory_space<vmem>>
        %dma_start3A_338 = arith.constant 0 : i32
        %dma_start3A_339 = tpu.memref_slice %arg5[%add3A_332, %dma_start3A_338] : memref<128x200xi32, #tpu.memory_space<vmem>> -> memref<1x104xi32, #tpu.memory_space<vmem>>
        %dma_start3A_340 = tpu.memref_squeeze %dma_start3A_339 : memref<1x104xi32, #tpu.memory_space<vmem>> -> memref<104xi32, #tpu.memory_space<vmem>>
        %dma_start3A_341 = arith.constant 0 : i32
        %dma_start3A_342 = arith.constant 0 : i32
        %dma_start3A_343 = tpu.memref_slice %arg3[%dma_start3A_341, %dma_start3A_342] : memref<1000000x64xf32, #tpu.memory_space<hbm>> -> memref<1000000x64xf32, #tpu.memory_space<hbm>>
        tpu.enqueue_indirect_dma source(%dma_start3A_343 : memref<1000000x64xf32, #tpu.memory_space<hbm>>) target(%dma_start3A_337 : memref<104x64xf32, #tpu.memory_space<vmem>>) offsets(%dma_start3A_340 : memref<104xi32, #tpu.memory_space<vmem>>) semaphore(%arg11 : memref<!tpu.dma_semaphore, #tpu.memory_space<semaphore_mem>>)
        %dma_start3A_344 = arith.constant 3 : i32
        %dma_start3A_345 = arith.constant 104 : i32
        %dma_start3A_346 = arith.constant 0 : i32
        %dma_start3A_347 = tpu.memref_slice %arg6[%dma_start3A_344, %dma_start3A_345, %dma_start3A_346] : memref<4x200x64xf32, #tpu.memory_space<vmem>> -> memref<1x96x64xf32, #tpu.memory_space<vmem>>
        %dma_start3A_348 = tpu.memref_squeeze %dma_start3A_347 : memref<1x96x64xf32, #tpu.memory_space<vmem>> -> memref<96x64xf32, #tpu.memory_space<vmem>>
        %dma_start3A_349 = arith.constant 104 : i32
        %dma_start3A_350 = tpu.memref_slice %arg5[%add3A_332, %dma_start3A_349] : memref<128x200xi32, #tpu.memory_space<vmem>> -> memref<1x96xi32, #tpu.memory_space<vmem>>
        %dma_start3A_351 = tpu.memref_squeeze %dma_start3A_350 : memref<1x96xi32, #tpu.memory_space<vmem>> -> memref<96xi32, #tpu.memory_space<vmem>>
        %dma_start3A_352 = arith.constant 0 : i32
        %dma_start3A_353 = arith.constant 0 : i32
        %dma_start3A_354 = tpu.memref_slice %arg3[%dma_start3A_352, %dma_start3A_353] : memref<1000000x64xf32, #tpu.memory_space<hbm>> -> memref<1000000x64xf32, #tpu.memory_space<hbm>>
        tpu.enqueue_indirect_dma source(%dma_start3A_354 : memref<1000000x64xf32, #tpu.memory_space<hbm>>) target(%dma_start3A_348 : memref<96x64xf32, #tpu.memory_space<vmem>>) offsets(%dma_start3A_351 : memref<96xi32, #tpu.memory_space<vmem>>) semaphore(%arg11 : memref<!tpu.dma_semaphore, #tpu.memory_space<semaphore_mem>>)
      } else {
      }
    }
    %scan3A_102 = arith.constant 32 : i32
    "tpu.region"() ({
      %run_scoped3A = tpu.sem_alloc : memref<!tpu.dma_semaphore, #tpu.memory_space<semaphore_mem>>
      %dma_start3A_103 = arith.constant 0 : i32
      %dma_start3A_104 = tpu.memref_slice %arg4[%mul3A_2, %dma_start3A_103] : memref<4096x64xf32, #tpu.memory_space<hbm>> -> memref<128x64xf32, #tpu.memory_space<hbm>>
      %dma_start3A_105 = arith.constant 0 : i32
      %dma_start3A_106 = tpu.memref_slice %arg4[%mul3A_2, %dma_start3A_105] : memref<4096x64xf32, #tpu.memory_space<hbm>> -> memref<128x64xf32, #tpu.memory_space<hbm>>
      tpu.enqueue_dma source(%arg7 : memref<128x64xf32, #tpu.memory_space<vmem>>) target(%dma_start3A_106 : memref<128x64xf32, #tpu.memory_space<hbm>>) target_semaphore(%run_scoped3A : memref<!tpu.dma_semaphore, #tpu.memory_space<semaphore_mem>>)
      %dma_wait3A = arith.constant 0 : i32
      %dma_wait3A_107 = tpu.memref_slice %arg4[%mul3A_2, %dma_wait3A] : memref<4096x64xf32, #tpu.memory_space<hbm>> -> memref<128x64xf32, #tpu.memory_space<hbm>>
      %dma_wait3A_108 = arith.constant 0 : i32
      %dma_wait3A_109 = tpu.memref_slice %arg4[%mul3A_2, %dma_wait3A_108] : memref<4096x64xf32, #tpu.memory_space<hbm>> -> memref<128x64xf32, #tpu.memory_space<hbm>>
      tpu.wait_dma2 semaphore(%run_scoped3A : memref<!tpu.dma_semaphore, #tpu.memory_space<semaphore_mem>>) src(%arg7 : memref<128x64xf32, #tpu.memory_space<vmem>>) dst(%dma_wait3A_109 : memref<128x64xf32, #tpu.memory_space<hbm>>)
      tpu.yield
    }) : () -> ()
    return
  }
}

module attributes {stable_mosaic.version = 14 : i64} {
  func.func @body(%arg0: memref<4096x64xf32, #tpu.memory_space<vmem>>, %arg1: memref<1x64xf32, #tpu.memory_space<vmem>>, %arg2: memref<64x5xf32, #tpu.memory_space<vmem>>, %arg3: memref<1x5xf32, #tpu.memory_space<vmem>>, %arg4: memref<4096x5xf32, #tpu.memory_space<vmem>>) attributes {dimension_semantics = [], scalar_prefetch = 0 : i64, scratch_operands = 0 : i64, tpu.core_type = #tpu.core_type<tc>} {
    %get3A = arith.constant 0 : index
    %get3A_0 = arith.constant 0 : index
    %get3A_1 = vector.load %arg0[%get3A, %get3A_0] : memref<4096x64xf32, #tpu.memory_space<vmem>>, vector<4096x64xf32>
    %get3A_2 = arith.constant 0 : index
    %get3A_3 = arith.constant 0 : index
    %get3A_4 = vector.load %arg1[%get3A_2, %get3A_3] : memref<1x64xf32, #tpu.memory_space<vmem>>, vector<1x64xf32>
    %add3A = vector.broadcast %get3A_4 : vector<1x64xf32> to vector<4096x64xf32>
    %add3A_5 = arith.addf %get3A_1, %add3A : vector<4096x64xf32>
    %get3A_6 = arith.constant 0 : index
    %get3A_7 = arith.constant 0 : index
    %get3A_8 = vector.load %arg2[%get3A_6, %get3A_7] : memref<64x5xf32, #tpu.memory_space<vmem>>, vector<64x5xf32>
    %dot_general3A = arith.constant dense<0.000000e+00> : vector<4096x5xf32>
    %dot_general3A_9 = tpu.matmul %add3A_5, %get3A_8, %dot_general3A {dimension_numbers = #tpu.dot_dimension_numbers<[1], [0], [0], [1], [0, 0, 1, 1], [], []>, transpose_lhs_hint = false} : vector<4096x64xf32>, vector<64x5xf32>, vector<4096x5xf32> -> vector<4096x5xf32>
    %get3A_10 = arith.constant 0 : index
    %get3A_11 = arith.constant 0 : index
    %get3A_12 = vector.load %arg3[%get3A_10, %get3A_11] : memref<1x5xf32, #tpu.memory_space<vmem>>, vector<1x5xf32>
    %add3A_13 = vector.broadcast %get3A_12 : vector<1x5xf32> to vector<4096x5xf32>
    %add3A_14 = arith.addf %dot_general3A_9, %add3A_13 : vector<4096x5xf32>
    %swap3A = arith.constant 0 : index
    %swap3A_15 = arith.constant 0 : index
    %swap3A_16 = vector.load %arg4[%swap3A, %swap3A_15] : memref<4096x5xf32, #tpu.memory_space<vmem>>, vector<4096x5xf32>
    tpu.vector_store %arg4[%swap3A, %swap3A_15], %add3A_14 {strides = array<i32>} : memref<4096x5xf32, #tpu.memory_space<vmem>>, vector<4096x5xf32>,
    return
  }
}

</mosaic_0001>

<sc_bundles>
// kernel: kernel.4.cloned.1.call-start
scs
__scs_entry_jumppad:
0x0: {  	(pc) =	sbr.rel $0x88, $3  }
0x1: {  	(tag) =	ssettag $0x0;
	lr =	simm.s32 $0x1  }
0x2: {  	[smem:$0x3F9C] =	sst lr;
	_ =	strace $0xD0000000  }
0x3: {  	_ = 	snop  }
0x4: {  	_ = 	snop  }
0x5: {  	_ = 	snop  }
0x6: {  	_ = 	snop  }
0x7: {  	_ = 	snop  }
__scs_overlays_trampoline_lowered:
0x8: {  	[smem:$0x3FAB] =	sst s0  }
0x9: {  	[smem:$0x3FAC] =	sst s1  }
0xa: {  	[smem:$0x3FAD] =	sst s2  }
0xb: {  	[smem:$0x3FAE] =	sst s3  }
0xc: {  	[smem:$0x3FAF] =	sst s4  }
0xd: {  	[smem:$0x3FB0] =	sst s5  }
0xe: {  	[smem:$0x3FB1] =	sst s6  }
0xf: {  	[smem:$0x3FB2] =	sst s7  }
0x10: {  	[smem:$0x3FB3] =	sst s8  }
0x11: {  	[smem:$0x3FB4] =	sst s9;
	s0 =	simm.s32 @!p0 $0x0  }
0x12: {  	s1 =	sld [smem:$0x3F9A];
	s0 =	simm.s32 @p0 $0x1  }
0x13: {  	[smem:$0x3FB5] =	sst s0;
	s0 =	simm.s32 @!p1 $0x0  }
0x14: {  	s2 =	sld [smem:$0x3F99];
	s0 =	simm.s32 @p1 $0x1  }
0x15: {  	[smem:$0x3FB6] =	sst s0;
	s0 =	simm.s32 @!p2 $0x0  }
0x16: {  	s3 =	sld [smem:$0x3FDB];
	s0 =	simm.s32 @p2 $0x1  }
0x17: {  	s4 =	simm.s32 $0x1BF5;
	[smem:$0x3FB8] =	sst s0  }
0x18: {  	s0 =	sld [smem:$0x3F9B];
	_ =	swait.ge [sflag:s4], $0x0  }
0x19: {  	s7 =	sld [smem:$0x3F9C]  }
0x1a: {  	s8 =	sadd.s32 $0xFFFFE003, lr  }
0x1b: {  	s9 =	sadd.s32 $0xFFFFFEF7, lr;
	s5 =	simm.s32 $0xFFFFFFFF;
	p2 =	slt.u32 s8, $0xFFFFF086  }
0x1c: {  	p1 =	slt.u32 s9, $0xF7A;
	s5 =	simm.s32 @!p2 $0x0  }
0x1d: {  	s5 =	simm.s32 @p1 $0x1;
	p0 =	seq.s32 s7, s2  }
0x1e: {  	s7 =	smul.u32 @!p0 $0xF7A, s2;
	p2 =	seq.s32 @!p0 s5, $0x0  }
0x1f: {  	s9 =	smul.u32 $0xF7A, s1;
	s8 =	simm.s32 @!p0 $0x1BF5;
	p2 =	por !p2, p0  }
0x20: {  	[sflag:s8] =	ssyncset.s32 @!p0 $0xFFFFF086;
	s6 =	sadd.s32 @!p0 s3, s7;
	s7 =	simm.s32 @!p0 $0x108  }
0x21: {  	s3 =	sadd.s32 s3, s9;
	s6 =	sadd.s32 @!p0 $0x88, s6;
	s7 =	simm.s32 @p2 $0x1082  }
0x22: {  	[simem:s7], [sflag:s8] =	dma.local @!p0 [hbm:s6], $0xF7A  }
0x23: {  	s9 =	sor.u32 $0xD0000000, s2;
	s6 =	simm.s32 $0x108;
	_ =	swait.ge @!p0 [sflag:s8], $0x0  }
0x24: {  	s3 =	sadd.s32 $0x88, s3;
	s6 =	simm.s32 @!p1 $0x1082;
	[sflag:s4] =	ssyncset.s32 $0xFFFFF086  }
0x25: {  	[simem:s6], [sflag:s4] =	dma.local [hbm:s3], $0xF7A  }
0x26: {  	[smem:$0x3F9C] =	sst s1;
	(tag) =	ssettag s2;
	_ =	strace s9  }
0x27: {  	s1 =	sld [smem:$0x3FAC]  }
0x28: {  	s2 =	sld [smem:$0x3FAD]  }
0x29: {  	s4 =	sld [smem:$0x3FAF]  }
0x2a: {  	p0 =	seq.s32 s5, $0x0;
	s5 =	sld [smem:$0x3FB0]  }
0x2b: {  	s6 =	sld [smem:$0x3FB1]  }
0x2c: {  	s7 =	sld [smem:$0x3FB2]  }
0x2d: {  	s3 =	simm.s32 $0x108;
	s8 =	sld [smem:$0x3FB3]  }
0x2e: {  	s3 =	simm.s32 @!p0 $0x1082;
	s9 =	sld [smem:$0x3FB4]  }
0x2f: {  	lr =	sadd.s32 s0, s3;
	s0 =	sld [smem:$0x3FAB]  }
0x30: {  	s3 =	sld [smem:$0x3FAE]  }
0x31: {  	[smem:$0x3FB7] =	sst s10  }
0x32: {  	s10 =	sld [smem:$0x3FB5];
	_ =	sdelay $0x3  }
0x33: {  	p0 =	seq.s32 s10, $0x1;
	s10 =	sld [smem:$0x3FB7];
	_ =	sdelay $0x3  }
0x34: {  	[smem:$0x3FB7] =	sst s10  }
0x35: {  	s10 =	sld [smem:$0x3FB6];
	_ =	sdelay $0x3  }
0x36: {  	p1 =	seq.s32 s10, $0x1;
	s10 =	sld [smem:$0x3FB7];
	_ =	sdelay $0x3  }
0x37: {  	[smem:$0x3FB7] =	sst s10  }
0x38: {  	s10 =	sld [smem:$0x3FB8]  }
0x39: {  	_ = 	snop;
	(pc) =	sbr.ind lr, $3  }
0x3a: {  	_ = 	snop  }
0x3b: {  	_ = 	snop  }
0x3c: {  	p2 =	seq.s32 s10, $0x1;
	s10 =	sld [smem:$0x3FB7]  }
0x3d: {  	_ =	shalt  }
0x3e: {  	_ =	shalt  }
0x3f: {  	_ =	shalt  }
0x40: {  	_ =	shalt  }
0x41: {  	_ =	shalt  }
0x42: {  	_ =	shalt  }
0x43: {  	_ =	shalt  }
0x44: {  	_ =	shalt  }
0x45: {  	_ =	shalt  }
0x46: {  	_ =	shalt  }
0x47: {  	_ =	shalt  }
0x48: {  	_ =	shalt  }
0x49: {  	_ =	shalt  }
0x4a: {  	_ =	shalt  }
0x4b: {  	_ =	shalt  }
0x4c: {  	_ =	shalt  }
0x4d: {  	_ =	shalt  }
0x4e: {  	_ =	shalt  }
0x4f: {  	_ =	shalt  }
0x50: {  	_ =	shalt  }
0x51: {  	_ =	shalt  }
0x52: {  	_ =	shalt  }
0x53: {  	_ =	shalt  }
0x54: {  	_ =	shalt  }
0x55: {  	_ =	shalt  }
0x56: {  	_ =	shalt  }
0x57: {  	_ =	shalt  }
0x58: {  	_ =	shalt  }
0x59: {  	_ =	shalt  }
0x5a: {  	_ =	shalt  }
0x5b: {  	_ =	shalt  }
0x5c: {  	_ =	shalt  }
0x5d: {  	_ =	shalt  }
0x5e: {  	_ =	shalt  }
0x5f: {  	_ =	shalt  }
0x60: {  	_ =	shalt  }
0x61: {  	_ =	shalt  }
0x62: {  	_ =	shalt  }
0x63: {  	_ =	shalt  }
0x64: {  	_ =	shalt  }
0x65: {  	_ =	shalt  }
0x66: {  	_ =	shalt  }
0x67: {  	_ =	shalt  }
0x68: {  	_ =	shalt  }
0x69: {  	_ =	shalt  }
0x6a: {  	_ =	shalt  }
0x6b: {  	_ =	shalt  }
0x6c: {  	_ =	shalt  }
0x6d: {  	_ =	shalt  }
0x6e: {  	_ =	shalt  }
0x6f: {  	_ =	shalt  }
0x70: {  	_ =	shalt  }
0x71: {  	_ =	shalt  }
0x72: {  	_ =	shalt  }
0x73: {  	_ =	shalt  }
0x74: {  	_ =	shalt  }
0x75: {  	_ =	shalt  }
0x76: {  	_ =	shalt  }
0x77: {  	_ =	shalt  }
0x78: {  	_ =	shalt  }
0x79: {  	_ =	shalt  }
0x7a: {  	_ =	shalt  }
0x7b: {  	_ =	shalt  }
0x7c: {  	_ =	shalt  }
0x7d: {  	_ =	shalt  }
0x7e: {  	_ =	shalt  }
0x7f: {  	_ =	shalt  }
0x80: {  	_ =	shalt  }
0x81: {  	_ =	shalt  }
0x82: {  	_ =	shalt  }
0x83: {  	_ =	shalt  }
0x84: {  	_ =	shalt  }
0x85: {  	_ =	shalt  }
0x86: {  	_ =	shalt  }
0x87: {  	_ =	shalt  }
.Lfunc_end0:
.L_simem_size_0:
called_computation_lowered:
.L_overlay_start_0:
0x88: {  	s2 =	sld [smem:$0x3FD9]  }
0x89: {  	s3 =	sld [smem:$0x3FFE];
	_ =	sdelay $0x1  }
0x8a: {  	s1 =	srdreg.scid  }
0x8b: {  	s0 =	sand.u32 $0x1, s1  }
0x8c: {  	s16 =	sshll.u32 s0, $0xA;
	s2 =	sadd.s32 s3, s2  }
0x8d: {  	s2 =	sadd.s32 s2, s16  }
0x8e: {  	[smem:$0x3FC3] =	sst s2  }
0x8f: {  	_ = 	snop  }
0x90: {  	(tm) =	ssettm $0x1  }
0x91: {  	s17 =	sld [smem:$0x3FFB];
	_ =	sdelay $0x3  }
0x92: {  	_ =	strace s17  }
0x93: {  	s2 =	sld [smem:$0x3FFC];
	_ =	sdelay $0x3  }
0x94: {  	_ =	strace s2  }
0x95: {  	s2 =	sld [smem:$0x3FFD];
	_ =	sdelay $0x3  }
0x96: {  	_ =	strace s2  }
0x97: {  	_ =	strace $0x8FFFFFFF  }
0x98: {  	s18 =	sld [smem:$0x3FDB];
	_ =	sdelay $0x1  }
0x99: {  	s19 =	simm.s32 $_scs_section_size  }
0x9a: {  	s4 =	simm.s32 $_size__tile_overlayer_lowered;
	s5 =	simm.s32 $_tile_overlayer_lowered  }
0x9b: {  	s22 =	simm.s32 $0x1BFF;
	s21 =	sshll.u32 s5, $0x1;
	s2 =	sadd.s32 s19, s18  }
0x9c: {  	s6 =	simm.s32 $0x0;
	s20 =	sshll.u32 s4, $0x1;
	s4 =	sadd.s32 s21, s2  }
0x9d: {  	[timem:s6], [sflag:s22] =	dma.local [hbm:s4], s20  }
0x9e: {  	_ =	swait.ge [sflag:s22], s20  }
0x9f: {  	s3 =	ssub.s32 $0x0, s20;
	[sflag:s22] =	ssyncset.done $0x0  }
0xa0: {  	[sflag:s22] =	ssyncadd.s32 s3;
	_ =	sdelay $0x1  }
0xa1: {  	s23 =	simm.s32 $0x1B8B  }
0xa2: {  	_ =	swait.ge [sflag:s23], $0x1  }
0xa3: {  	[sflag:s23] =	ssyncset.done $0x0  }
0xa4: {  	s25 =	simm.s32 $0x1B8E;
	s24 =	sld [smem:$0x3FFE];
	[sflag:s23] =	ssyncadd.s32 $0xFFFFFFFF  }
0xa5: {  	s26 =	simm.s32 $execute0_lowered;
	[smem:$0x3FD2] =	sst s25  }
0xa6: {  	s4 =	sshll.u32 s26, $0x1;
	_ =	strace $0x80000046;
	[dreg:$0x1] =	wrdreg $0xFFFFFFFF  }
0xa7: {  	s28 =	simm.s32 $_size_execute0_lowered;
	s2 =	sadd.s32 s2, s4;
	[dreg:$0x0] =	wrdreg $0x0  }
0xa8: {  	s4 =	sshll.u32 s28, $0x1;
	[dreg:$0x2] =	wrdreg s2  }
0xa9: {  	[dreg:$0x3] =	wrdreg s4  }
0xaa: {  	[dreg:$0x4] =	wrdreg $0xC0  }
0xab: {  	_ =	task [dreg:s6], $0x5FFFF  }
0xac: {  	[dreg:$0x1] =	wrdreg $0xFFFFFFFF  }
0xad: {  	[dreg:$0x0] =	wrdreg $0x60  }
0xae: {  	[dreg:$0x2] =	wrdreg s24  }
0xaf: {  	[dreg:$0x3] =	wrdreg $0x9  }
0xb0: {  	_ =	task.clear_ibuf [dreg:s6], $0x4FFFF;
	_ =	strace $0x90000046  }
0xb1: {  	s29 =	simm.s32 $0x9;
	_ =	strace $0x80000048  }
0xb2: {  	_ =	swait.ge [sflag:s29], $0x1  }
0xb3: {  	[sflag:s29] =	ssyncadd.s32 $0xFFFFFFFF  }
0xb4: {  	_ =	strace $0x90000048  }
0xb5: {  	_ =	sfence  }
0xb6: {  	s30 =	sld [smem:$0x0];
	_ =	sdelay $0x2  }
0xb7: {  	s31 =	sshll.u32 s1, $0xD;
	s1 =	sshrl.u32 s1, $0x2  }
0xb8: {  	s3 =	sand.u32 $0x4000, s31;
	s1 =	sadd.s32 s1, s30  }
0xb9: {  	s0 =	sor.u32 s3, s0;
	s1 =	sshll.u32 s1, $0x11  }
0xba: {  	s0 =	sor.u32 s1, s0  }
0xbb: {  	s0 =	sadd.s32 $0x8F2B, s0  }
0xbc: {  	[sflag:s0] =	ssyncadd.remote.s32 $0x1  }
0xbd: {  	_ =	sfence.sel $0xFFFF  }
0xbe: {  	[dreg:$0x0] =	wrdreg $0xFFFFFFFF;
	(pc) =	sbr.abs _section_cstart, $3  }
0xbf: {  	[dreg:$0x1] =	wrdreg $0xFFFFFFFF  }
0xc0: {  	_ =	task.clear_ibuf [dreg:s6], $0x2FFFF;
	_ =	strace $0x9FFFFFFF  }
0xc1: {  	(tm) =	ssettm $0x7FFFFFFF  }
tec
execute0_lowered:
.L_overlay_start_1:
0x0: {  	(tag) =	ssettag $0x1  }
0x1: {  	s0 =	srdreg.scid  }
0x2: {  	s2 =	stileid.u32;
	s1 =	rddreg [dreg:$0x0]  }
0x3: {  	s7 =	simm.s32 $0x5;
	s8 =	simm.s32 $0x68;
	s10 =	simm.s32 $0x60  }
0x4: {  	s13 =	simm.s32 $0x9600;
	s14 =	simm.s32 $0x130;
	s15 =	simm.s32 $0xB000  }
0x5: {  	s16 =	simm.s32 $0x190;
	s17 =	simm.s32 $0xC800;
	s18 =	simm.s32 $0x1F8  }
0x6: {  	s19 =	simm.s32 $0xE200;
	s20 =	simm.s32 $0x258;
	s21 =	simm.s32 $0xFA00  }
0x7: {  	s22 =	simm.s32 $0x2C0;
	s23 =	simm.s32 $0x11400;
	s24 =	simm.s32 $0x1  }
0x8: {  	s25 =	simm.s32 $0x2;
	s26 =	simm.s32 $0x3;
	s28 =	simm.s32 $0x4  }
0x9: {  	s29 =	simm.s32 $0x12C00;
	s30 =	simm.s32 $0x0;
	s0 =	sand.u32 $0x1, s0  }
0xa: {  	s3 =	sshll.u32 s2, $0x8;
	s2 =	simm.s32 $0x0;
	s4 =	sshll.u32 s0, $0x7  }
.Ltmp0:
0xb: {  	[smem:$0x7FF] =	sst s2;
	s3 =	sor.u32 s4, s3;
	(pc) =	sbr.rel .LBB2_1-.Ltmp0, $4  }
0xc: {  	s0 =	ssub.s32 $0x2, s0;
	_ =	strace $0x80000047;
	s4 =	smul.u32 $0x19, s3  }
0xd: {  	s31 =	sshrl.u32 s0, $0x1;
	s5 =	sshll.u32 s3, $0x3;
	s3 =	sadd.s32 $0xF43000, s1  }
0xe: {  	s0 =	ssub.s32 s0, s31;
	s4 =	sadd.s32 s4, s1;
	s1 =	sadd.s32 s5, s1  }
0xf: {  	s6 =	smax.u32 s0, $0x1;
	s4 =	sadd.s32 $0xC00, s4;
	s5 =	sadd.s32 $0x19C00, s1  }
.LBB2_12:
0x10: {  	s30 =	sadd.s32 $0x1, s30  }
0x11: {  	p0 =	sne.s32 s30, s6  }
.Ltmp1:
0x12: {  	_ = 	snop;
	(pc) =	sbr.rel @!p0 .LBB2_13-.Ltmp1, $4  }
0x13: {  	[hbm4b:s5+s2] =	stream.linear.scatter [tilespmem:s29], [sflag:$0x5], $0x2000, $0x38;
	[tilespmem:$0x14C00] =	vst v63  }
0x14: {  	_ =	swait.ge [sflag:s7], $0x2000  }
0x15: {  	[sflag:s7] =	ssyncset.done $0x0  }
0x16: {  	[sflag:s7] =	ssyncadd.s32 $0xFFFFE000  }
.LBB2_1:
0x17: {  	[tilespmem:s2], [sflag:$0x5] =	stream.linear.gather [hbm4b:s4+s2], $0x6400, $0x38;
	[tilespmem:$0x14C00] =	vst v63  }
0x18: {  	_ =	swait.ge [sflag:s7], $0x6400  }
0x19: {  	[sflag:s7] =	ssyncset.done $0x0  }
0x1a: {  	s0 =	simm.s32 $0x6400;
	[sflag:s7] =	ssyncadd.s32 $0xFFFF9C00  }
0x1b: {  	[tilespmem:s0], [sflag:$0x1] =	stream.indirect.gather [hbm4b:s3+s8], $0x40, s2, s8, $0xb8;
	[tilespmem:$0x14C00] =	vst v63  }
0x1c: {  	s11 =	simm.s32 $0x7E00  }
0x1d: {  	[tilespmem:s11], [sflag:$0x1] =	stream.indirect.gather [hbm4b:s3+s10], $0x40, s8, s10, $0xb8;
	[tilespmem:$0x14C00] =	vst v63  }
0x1e: {  	s12 =	simm.s32 $0xC8  }
0x1f: {  	[tilespmem:s13], [sflag:$0x2] =	stream.indirect.gather [hbm4b:s3+s8], $0x40, s12, s8, $0xb8;
	[tilespmem:$0x14C00] =	vst v63  }
0x20: {  	_ = 	snop  }
0x21: {  	[tilespmem:s15], [sflag:$0x2] =	stream.indirect.gather [hbm4b:s3+s10], $0x40, s14, s10, $0xb8;
	[tilespmem:$0x14C00] =	vst v63  }
0x22: {  	_ = 	snop  }
0x23: {  	[tilespmem:s17], [sflag:$0x3] =	stream.indirect.gather [hbm4b:s3+s8], $0x40, s16, s8, $0xb8;
	[tilespmem:$0x14C00] =	vst v63  }
0x24: {  	_ = 	snop  }
0x25: {  	[tilespmem:s19], [sflag:$0x3] =	stream.indirect.gather [hbm4b:s3+s10], $0x40, s18, s10, $0xb8;
	[tilespmem:$0x14C00] =	vst v63  }
0x26: {  	_ = 	snop  }
0x27: {  	[tilespmem:s21], [sflag:$0x4] =	stream.indirect.gather [hbm4b:s3+s8], $0x40, s20, s8, $0xb8;
	[tilespmem:$0x14C00] =	vst v63  }
0x28: {  	s31 =	simm.s32 $0x0  }
0x29: {  	[tilespmem:s23], [sflag:$0x4] =	stream.indirect.gather [hbm4b:s3+s10], $0x40, s22, s10, $0xb8;
	[tilespmem:$0x14C00] =	vst v63  }
.LBB2_2:
0x2a: {  	_ =	swait.ge [sflag:s24], $0x1A00  }
0x2b: {  	[sflag:s24] =	ssyncset.done $0x0  }
0x2c: {  	[sflag:s24] =	ssyncadd.s32 $0xFFFFE600  }
0x2d: {  	_ =	swait.ge [sflag:s24], $0x1800  }
0x2e: {  	[sflag:s24] =	ssyncset.done $0x0  }
0x2f: {  	s1 =	simm.s32 $0x6500;
	[sflag:s24] =	ssyncadd.s32 $0xFFFFE800  }
0x30: {  	v0 =	vld [tilespmem:s1+$0xC0]  }
0x31: {  	v1 =	vld [tilespmem:s1+$0xD0]  }
0x32: {  	v2 =	vld [tilespmem:s1+$0x80]  }
0x33: {  	v3 =	vld [tilespmem:s1+$0x90]  }
0x34: {  	v9 =	vld [tilespmem:s1+$0x40]  }
0x35: {  	v12 =	vld [tilespmem:s1+$0x50]  }
0x36: {  	v5 =	vld [tilespmem:s1+$0x0]  }
0x37: {  	v8 =	vld [tilespmem:s1+$0x10]  }
0x38: {  	v6 =	vld [tilespmem:s1+$0xFFFFFFC0]  }
0x39: {  	v7 =	vld [tilespmem:s1+$0xFFFFFFD0]  }
0x3a: {  	v4 =	vld [tilespmem:s1+$0xFFFFFF80]  }
0x3b: {  	v10 =	vld [tilespmem:s1+$0xFFFFFF90]  }
0x3c: {  	v11 =	vld [tilespmem:s1+$0xFFFFFF40]  }
0x3d: {  	v13 =	vld [tilespmem:s1+$0xFFFFFF50]  }
0x3e: {  	v14 =	vld [tilespmem:s1+$0xFFFFFF00]  }
0x3f: {  	v15 =	vld [tilespmem:s1+$0xFFFFFF10]  }
0x40: {  	v16 =	vld [tilespmem:s1+$0xFFFFFF20]  }
0x41: {  	v17 =	vld [tilespmem:s1+$0xFFFFFF30]  }
0x42: {  	v18 =	vld [tilespmem:s1+$0xFFFFFF60]  }
0x43: {  	v19 =	vld [tilespmem:s1+$0xFFFFFF70]  }
0x44: {  	v20 =	vimm.f32 $0.0e+00;
	v21 =	vld [tilespmem:s1+$0xFFFFFFA0]  }
0x45: {  	v22 =	vld [tilespmem:s1+$0xFFFFFFB0];
	v14 =	vadd.f32 v14, v20;
	v15 =	vadd.f32 v15, v20  }
0x46: {  	v59 =	vld [tilespmem:s1+$0xFFFFFFE0];
	v16 =	vadd.f32 v16, v20;
	v17 =	vadd.f32 v17, v20  }
0x47: {  	v11 =	vadd.f32 v11, v14;
	v13 =	vadd.f32 v13, v15;
	v14 =	vld [tilespmem:s1+$0xFFFFFFF0]  }
0x48: {  	v61 =	vld [tilespmem:s1+$0x20];
	v15 =	vadd.f32 v18, v16;
	v60 =	vadd.f32 v19, v17  }
0x49: {  	v11 =	vadd.f32 v4, v11;
	v10 =	vadd.f32 v10, v13;
	v13 =	vld [tilespmem:s1+$0x30]  }
0x4a: {  	v15 =	vadd.f32 v21, v15;
	v16 =	vadd.f32 v22, v60;
	v4 =	vld [tilespmem:s1+$0x60]  }
0x4b: {  	v11 =	vadd.f32 v6, v11;
	v10 =	vadd.f32 v7, v10;
	v7 =	vld [tilespmem:s1+$0x70]  }
0x4c: {  	v15 =	vadd.f32 v59, v15;
	v6 =	vld [tilespmem:s1+$0xA0];
	v14 =	vadd.f32 v14, v16  }
0x4d: {  	v62 =	vadd.f32 v5, v11;
	v63 =	vadd.f32 v8, v10;
	v8 =	vld [tilespmem:s1+$0xB0]  }
0x4e: {  	v11 =	vadd.f32 v61, v15;
	v5 =	vld [tilespmem:s1+$0xE0];
	v10 =	vadd.f32 v13, v14  }
0x4f: {  	s0 =	simm.s32 $0x0;
	v13 =	vadd.f32 v9, v62;
	v12 =	vadd.f32 v12, v63;
	v9 =	vld [tilespmem:s1+$0xF0];
	s1 =	simm.s32 $0x6700  }
.LBB2_3:
0x50: {  	v14 =	vld [tilespmem:s1+$0xC0];
	v4 =	vadd.f32 v4, v11;
	v7 =	vadd.f32 v7, v10  }
0x51: {  	v10 =	vld [tilespmem:s1+$0xD0];
	v11 =	vadd.f32 v2, v13;
	v12 =	vadd.f32 v3, v12  }
0x52: {  	v2 =	vld [tilespmem:s1+$0x80];
	v4 =	vadd.f32 v6, v4;
	v6 =	vadd.f32 v8, v7  }
0x53: {  	v3 =	vld [tilespmem:s1+$0x90];
	v7 =	vadd.f32 v0, v11;
	v8 =	vadd.f32 v1, v12  }
0x54: {  	v12 =	vld [tilespmem:s1+$0x40];
	v4 =	vadd.f32 v5, v4;
	v5 =	vadd.f32 v9, v6  }
0x55: {  	v9 =	vld [tilespmem:s1+$0x50];
	v0 =	vmov v14  }
0x56: {  	v11 =	vld [tilespmem:s1+$0x0];
	v1 =	vmov v10  }
0x57: {  	v10 =	vld [tilespmem:s1+$0x10]  }
0x58: {  	v6 =	vld [tilespmem:s1+$0xFFFFFFC0]  }
0x59: {  	v13 =	vld [tilespmem:s1+$0xFFFFFFD0]  }
0x5a: {  	v14 =	vld [tilespmem:s1+$0xFFFFFF80]  }
0x5b: {  	v15 =	vld [tilespmem:s1+$0xFFFFFF90]  }
0x5c: {  	v16 =	vld [tilespmem:s1+$0xFFFFFF40]  }
0x5d: {  	v17 =	vld [tilespmem:s1+$0xFFFFFF50]  }
0x5e: {  	v18 =	vld [tilespmem:s1+$0xFFFFFF00]  }
0x5f: {  	v19 =	vld [tilespmem:s1+$0xFFFFFF10]  }
0x60: {  	v20 =	vld [tilespmem:s1+$0xFFFFFF20]  }
0x61: {  	s0 =	sadd.s32 $0x8, s0;
	v21 =	vld [tilespmem:s1+$0xFFFFFF30]  }
0x62: {  	p0 =	slt.u32 s0, $0xC0;
	v22 =	vld [tilespmem:s1+$0xFFFFFF60]  }
0x63: {  	v23 =	vld [tilespmem:s1+$0xFFFFFF70]  }
0x64: {  	v24 =	vld [tilespmem:s1+$0xFFFFFFA0]  }
0x65: {  	v7 =	vadd.f32 v18, v7;
	v8 =	vadd.f32 v19, v8;
	v18 =	vld [tilespmem:s1+$0xFFFFFFB0]  }
0x66: {  	v4 =	vadd.f32 v20, v4;
	v5 =	vadd.f32 v21, v5;
	v19 =	vld [tilespmem:s1+$0xFFFFFFE0]  }
0x67: {  	v7 =	vadd.f32 v16, v7;
	v8 =	vadd.f32 v17, v8;
	v16 =	vld [tilespmem:s1+$0xFFFFFFF0]  }
0x68: {  	v4 =	vadd.f32 v22, v4;
	v5 =	vadd.f32 v23, v5;
	v17 =	vld [tilespmem:s1+$0x20]  }
0x69: {  	v7 =	vadd.f32 v14, v7;
	v8 =	vadd.f32 v15, v8;
	v14 =	vld [tilespmem:s1+$0x30]  }
0x6a: {  	v15 =	vadd.f32 v24, v4;
	v5 =	vadd.f32 v18, v5;
	v4 =	vld [tilespmem:s1+$0x60]  }
.Ltmp2:
0x6b: {  	v18 =	vadd.f32 v6, v7;
	v8 =	vadd.f32 v13, v8;
	v7 =	vld [tilespmem:s1+$0x70];
	(pc) =	sbr.rel @p0 .LBB2_3-.Ltmp2, $4  }
0x6c: {  	v13 =	vadd.f32 v19, v15;
	v5 =	vadd.f32 v16, v5;
	v6 =	vld [tilespmem:s1+$0xA0]  }
0x6d: {  	v15 =	vadd.f32 v11, v18;
	v16 =	vadd.f32 v10, v8;
	v8 =	vld [tilespmem:s1+$0xB0]  }
0x6e: {  	v11 =	vadd.f32 v17, v13;
	v10 =	vadd.f32 v14, v5;
	v5 =	vld [tilespmem:s1+$0xE0]  }
0x6f: {  	v13 =	vadd.f32 v12, v15;
	v12 =	vadd.f32 v9, v16;
	v9 =	vld [tilespmem:s1+$0xF0];
	s1 =	sadd.s32 $0x200, s1  }
0x70: {  	_ = 	snop  }
0x71: {  	v4 =	vadd.f32 v4, v11;
	v2 =	vadd.f32 v2, v13  }
0x72: {  	v7 =	vadd.f32 v7, v10;
	v3 =	vadd.f32 v3, v12  }
0x73: {  	s0 =	sshll.u32 s31, $0x8;
	v4 =	vadd.f32 v6, v4;
	v0 =	vadd.f32 v0, v2  }
0x74: {  	p0 =	seq.s32 s31, $0x1F;
	s1 =	sand.u32 $0x3FFFFF00, s0;
	v2 =	vadd.f32 v8, v7;
	v1 =	vadd.f32 v1, v3  }
0x75: {  	s0 =	smul.u32 @!p0 $0xC80, s31;
	v3 =	vadd.f32 v5, v4;
	[tilespmem:s1+$0x12C00] =	vst v0  }
0x76: {  	v0 =	vadd.f32 v9, v2;
	[tilespmem:s1+$0x12C10] =	vst v1  }
0x77: {  	s0 =	sshra.s32 @!p0 s0, $0x2;
	[tilespmem:s1+$0x12C20] =	vst v3  }
0x78: {  	s11 =	simm.s32 @!p0 $0x68;
	s12 =	simm.s32 @!p0 $0x6400;
	s9 =	sadd.s32 @!p0 $0x320, s0;
	[tilespmem:s1+$0x12C30] =	vst v0  }
0x79: {  	[tilespmem:s12], [sflag:$0x1] =	stream.indirect.gather @!p0 [hbm4b:s3+s11], $0x40, s9, s11, $0xb8;
	[tilespmem:$0x14C00] =	vst v63  }
0x7a: {  	s9 =	sadd.s32 @!p0 $0x388, s0;
	s11 =	simm.s32 @!p0 $0x60;
	s12 =	simm.s32 @!p0 $0x7E00  }
0x7b: {  	[tilespmem:s12], [sflag:$0x1] =	stream.indirect.gather @!p0 [hbm4b:s3+s11], $0x40, s9, s11, $0xb8;
	[tilespmem:$0x14C00] =	vst v63  }
0x7c: {  	_ =	swait.ge [sflag:s25], $0x1A00  }
0x7d: {  	[sflag:s25] =	ssyncset.done $0x0  }
0x7e: {  	[sflag:s25] =	ssyncadd.s32 $0xFFFFE600  }
0x7f: {  	_ =	swait.ge [sflag:s25], $0x1800  }
0x80: {  	[sflag:s25] =	ssyncset.done $0x0  }
0x81: {  	s12 =	simm.s32 $0x97F0;
	[sflag:s25] =	ssyncadd.s32 $0xFFFFE800  }
0x82: {  	v0 =	vld [tilespmem:s12+$0xFFFFFFD0]  }
0x83: {  	v1 =	vld [tilespmem:s12+$0xFFFFFFE0]  }
0x84: {  	v2 =	vld [tilespmem:s12+$0xFFFFFF90]  }
0x85: {  	v3 =	vld [tilespmem:s12+$0xFFFFFFA0]  }
0x86: {  	v9 =	vld [tilespmem:s12+$0xFFFFFF50]  }
0x87: {  	v12 =	vld [tilespmem:s12+$0xFFFFFF60]  }
0x88: {  	v7 =	vld [tilespmem:s12+$0xFFFFFF10]  }
0x89: {  	v8 =	vld [tilespmem:s12+$0xFFFFFF20]  }
0x8a: {  	v5 =	vld [tilespmem:s12+$0xFFFFFED0]  }
0x8b: {  	v6 =	vld [tilespmem:s12+$0xFFFFFEE0]  }
0x8c: {  	v4 =	vld [tilespmem:s12+$0xFFFFFE90]  }
0x8d: {  	v10 =	vld [tilespmem:s12+$0xFFFFFEA0]  }
0x8e: {  	v11 =	vld [tilespmem:s12+$0xFFFFFE50]  }
0x8f: {  	v13 =	vld [tilespmem:s12+$0xFFFFFE60]  }
0x90: {  	v14 =	vld [tilespmem:s12+$0xFFFFFE10]  }
0x91: {  	v15 =	vld [tilespmem:s12+$0xFFFFFE20]  }
0x92: {  	v16 =	vld [tilespmem:s12+$0xFFFFFE30]  }
0x93: {  	v17 =	vld [tilespmem:s12+$0xFFFFFE40]  }
0x94: {  	v18 =	vld [tilespmem:s12+$0xFFFFFE70]  }
0x95: {  	v19 =	vld [tilespmem:s12+$0xFFFFFE80]  }
0x96: {  	v20 =	vimm.f32 $0.0e+00;
	v21 =	vld [tilespmem:s12+$0xFFFFFEB0]  }
0x97: {  	v22 =	vld [tilespmem:s12+$0xFFFFFEC0];
	v14 =	vadd.f32 v14, v20;
	v15 =	vadd.f32 v15, v20  }
0x98: {  	v59 =	vld [tilespmem:s12+$0xFFFFFEF0];
	v16 =	vadd.f32 v16, v20;
	v17 =	vadd.f32 v17, v20  }
0x99: {  	v11 =	vadd.f32 v11, v14;
	v13 =	vadd.f32 v13, v15;
	v14 =	vld [tilespmem:s12+$0xFFFFFF00]  }
0x9a: {  	v61 =	vld [tilespmem:s12+$0xFFFFFF30];
	v15 =	vadd.f32 v18, v16;
	v60 =	vadd.f32 v19, v17  }
0x9b: {  	v11 =	vadd.f32 v4, v11;
	v10 =	vadd.f32 v10, v13;
	v13 =	vld [tilespmem:s12+$0xFFFFFF40]  }
0x9c: {  	v15 =	vadd.f32 v21, v15;
	v16 =	vadd.f32 v22, v60;
	v4 =	vld [tilespmem:s12+$0xFFFFFF70]  }
0x9d: {  	v11 =	vadd.f32 v5, v11;
	v10 =	vadd.f32 v6, v10;
	v6 =	vld [tilespmem:s12+$0xFFFFFF80]  }
0x9e: {  	v15 =	vadd.f32 v59, v15;
	v5 =	vld [tilespmem:s12+$0xFFFFFFB0];
	v14 =	vadd.f32 v14, v16  }
0x9f: {  	v62 =	vadd.f32 v7, v11;
	v63 =	vadd.f32 v8, v10;
	v8 =	vld [tilespmem:s12+$0xFFFFFFC0]  }
0xa0: {  	v11 =	vadd.f32 v61, v15;
	v7 =	vld [tilespmem:s12+$0xFFFFFFF0];
	v10 =	vadd.f32 v13, v14  }
0xa1: {  	s9 =	simm.s32 $0x0;
	s11 =	simm.s32 $0x99F0;
	v13 =	vadd.f32 v9, v62;
	v12 =	vadd.f32 v12, v63;
	v9 =	vld [tilespmem:s12+$0x0]  }
.LBB2_5:
0xa2: {  	v14 =	vld [tilespmem:s11+$0xFFFFFFD0];
	v4 =	vadd.f32 v4, v11;
	v6 =	vadd.f32 v6, v10  }
0xa3: {  	v10 =	vld [tilespmem:s11+$0xFFFFFFE0];
	v11 =	vadd.f32 v2, v13;
	v12 =	vadd.f32 v3, v12  }
0xa4: {  	v2 =	vld [tilespmem:s11+$0xFFFFFF90];
	v4 =	vadd.f32 v5, v4;
	v5 =	vadd.f32 v8, v6  }
0xa5: {  	v3 =	vld [tilespmem:s11+$0xFFFFFFA0];
	v6 =	vadd.f32 v0, v11;
	v8 =	vadd.f32 v1, v12  }
0xa6: {  	v12 =	vld [tilespmem:s11+$0xFFFFFF50];
	v4 =	vadd.f32 v7, v4;
	v5 =	vadd.f32 v9, v5  }
0xa7: {  	v9 =	vld [tilespmem:s11+$0xFFFFFF60];
	v0 =	vmov v14  }
0xa8: {  	v7 =	vld [tilespmem:s11+$0xFFFFFF10];
	v1 =	vmov v10  }
0xa9: {  	v10 =	vld [tilespmem:s11+$0xFFFFFF20]  }
0xaa: {  	v11 =	vld [tilespmem:s11+$0xFFFFFED0]  }
0xab: {  	v13 =	vld [tilespmem:s11+$0xFFFFFEE0]  }
0xac: {  	v14 =	vld [tilespmem:s11+$0xFFFFFE90]  }
0xad: {  	v15 =	vld [tilespmem:s11+$0xFFFFFEA0]  }
0xae: {  	v16 =	vld [tilespmem:s11+$0xFFFFFE50]  }
0xaf: {  	v17 =	vld [tilespmem:s11+$0xFFFFFE60]  }
0xb0: {  	v18 =	vld [tilespmem:s11+$0xFFFFFE10]  }
0xb1: {  	v19 =	vld [tilespmem:s11+$0xFFFFFE20]  }
0xb2: {  	v20 =	vld [tilespmem:s11+$0xFFFFFE30]  }
0xb3: {  	s9 =	sadd.s32 $0x8, s9;
	v21 =	vld [tilespmem:s11+$0xFFFFFE40]  }
0xb4: {  	p1 =	slt.u32 s9, $0xC0;
	v22 =	vld [tilespmem:s11+$0xFFFFFE70]  }
0xb5: {  	v23 =	vld [tilespmem:s11+$0xFFFFFE80]  }
0xb6: {  	v24 =	vld [tilespmem:s11+$0xFFFFFEB0]  }
0xb7: {  	v6 =	vadd.f32 v18, v6;
	v8 =	vadd.f32 v19, v8;
	v18 =	vld [tilespmem:s11+$0xFFFFFEC0]  }
0xb8: {  	v4 =	vadd.f32 v20, v4;
	v5 =	vadd.f32 v21, v5;
	v19 =	vld [tilespmem:s11+$0xFFFFFEF0]  }
0xb9: {  	v6 =	vadd.f32 v16, v6;
	v8 =	vadd.f32 v17, v8;
	v16 =	vld [tilespmem:s11+$0xFFFFFF00]  }
0xba: {  	v4 =	vadd.f32 v22, v4;
	v5 =	vadd.f32 v23, v5;
	v17 =	vld [tilespmem:s11+$0xFFFFFF30]  }
0xbb: {  	v6 =	vadd.f32 v14, v6;
	v8 =	vadd.f32 v15, v8;
	v14 =	vld [tilespmem:s11+$0xFFFFFF40]  }
0xbc: {  	v15 =	vadd.f32 v24, v4;
	v5 =	vadd.f32 v18, v5;
	v4 =	vld [tilespmem:s11+$0xFFFFFF70]  }
.Ltmp3:
0xbd: {  	v11 =	vadd.f32 v11, v6;
	v8 =	vadd.f32 v13, v8;
	v6 =	vld [tilespmem:s11+$0xFFFFFF80];
	(pc) =	sbr.rel @p1 .LBB2_5-.Ltmp3, $4  }
0xbe: {  	v13 =	vadd.f32 v19, v15;
	v15 =	vadd.f32 v16, v5;
	v5 =	vld [tilespmem:s11+$0xFFFFFFB0]  }
0xbf: {  	v16 =	vadd.f32 v7, v11;
	v18 =	vadd.f32 v10, v8;
	v8 =	vld [tilespmem:s11+$0xFFFFFFC0]  }
0xc0: {  	v11 =	vadd.f32 v17, v13;
	v10 =	vadd.f32 v14, v15;
	v7 =	vld [tilespmem:s11+$0xFFFFFFF0]  }
0xc1: {  	v13 =	vadd.f32 v12, v16;
	v12 =	vadd.f32 v9, v18;
	v9 =	vld [tilespmem:s11+$0x0];
	s11 =	sadd.s32 $0x200, s11  }
0xc2: {  	_ = 	snop  }
0xc3: {  	v4 =	vadd.f32 v4, v11;
	v2 =	vadd.f32 v2, v13  }
0xc4: {  	v6 =	vadd.f32 v6, v10;
	v3 =	vadd.f32 v3, v12  }
0xc5: {  	v4 =	vadd.f32 v5, v4;
	v0 =	vadd.f32 v0, v2  }
0xc6: {  	v2 =	vadd.f32 v8, v6;
	v1 =	vadd.f32 v1, v3  }
0xc7: {  	v3 =	vadd.f32 v7, v4;
	[tilespmem:s1+$0x12C40] =	vst v0  }
0xc8: {  	v0 =	vadd.f32 v9, v2;
	[tilespmem:s1+$0x12C50] =	vst v1  }
0xc9: {  	[tilespmem:s1+$0x12C60] =	vst v3  }
0xca: {  	s9 =	sadd.s32 @!p0 $0x3E8, s0;
	s11 =	simm.s32 @!p0 $0x68;
	s12 =	simm.s32 @!p0 $0x9600;
	[tilespmem:s1+$0x12C70] =	vst v0  }
0xcb: {  	[tilespmem:s12], [sflag:$0x2] =	stream.indirect.gather @!p0 [hbm4b:s3+s11], $0x40, s9, s11, $0xb8;
	[tilespmem:$0x14C00] =	vst v63  }
0xcc: {  	s9 =	sadd.s32 @!p0 $0x450, s0;
	s11 =	simm.s32 @!p0 $0x60;
	s12 =	simm.s32 @!p0 $0xB000  }
0xcd: {  	[tilespmem:s12], [sflag:$0x2] =	stream.indirect.gather @!p0 [hbm4b:s3+s11], $0x40, s9, s11, $0xb8;
	[tilespmem:$0x14C00] =	vst v63  }
0xce: {  	_ =	swait.ge [sflag:s26], $0x1A00  }
0xcf: {  	[sflag:s26] =	ssyncset.done $0x0  }
0xd0: {  	[sflag:s26] =	ssyncadd.s32 $0xFFFFE600  }
0xd1: {  	_ =	swait.ge [sflag:s26], $0x1800  }
0xd2: {  	[sflag:s26] =	ssyncset.done $0x0  }
0xd3: {  	s12 =	simm.s32 $0xC800;
	[sflag:s26] =	ssyncadd.s32 $0xFFFFE800  }
0xd4: {  	v0 =	vld [tilespmem:s12+$0x1C0]  }
0xd5: {  	v1 =	vld [tilespmem:s12+$0x1D0]  }
0xd6: {  	v2 =	vld [tilespmem:s12+$0x180]  }
0xd7: {  	v3 =	vld [tilespmem:s12+$0x190]  }
0xd8: {  	v9 =	vld [tilespmem:s12+$0x140]  }
0xd9: {  	v12 =	vld [tilespmem:s12+$0x150]  }
0xda: {  	v7 =	vld [tilespmem:s12+$0x100]  }
0xdb: {  	v8 =	vld [tilespmem:s12+$0x110]  }
0xdc: {  	v5 =	vld [tilespmem:s12+$0xC0]  }
0xdd: {  	v6 =	vld [tilespmem:s12+$0xD0]  }
0xde: {  	v4 =	vld [tilespmem:s12+$0x80]  }
0xdf: {  	v10 =	vld [tilespmem:s12+$0x90]  }
0xe0: {  	v11 =	vld [tilespmem:s12+$0x40]  }
0xe1: {  	v13 =	vld [tilespmem:s12+$0x50]  }
0xe2: {  	v14 =	vld [tilespmem:s12+$0x0]  }
0xe3: {  	v15 =	vld [tilespmem:s12+$0x10]  }
0xe4: {  	v16 =	vld [tilespmem:s12+$0x20]  }
0xe5: {  	v17 =	vld [tilespmem:s12+$0x30]  }
0xe6: {  	v18 =	vld [tilespmem:s12+$0x60]  }
0xe7: {  	v19 =	vld [tilespmem:s12+$0x70]  }
0xe8: {  	v20 =	vimm.f32 $0.0e+00;
	v21 =	vld [tilespmem:s12+$0xA0]  }
0xe9: {  	v22 =	vld [tilespmem:s12+$0xB0];
	v14 =	vadd.f32 v14, v20;
	v15 =	vadd.f32 v15, v20  }
0xea: {  	v59 =	vld [tilespmem:s12+$0xE0];
	v16 =	vadd.f32 v16, v20;
	v17 =	vadd.f32 v17, v20  }
0xeb: {  	v11 =	vadd.f32 v11, v14;
	v13 =	vadd.f32 v13, v15;
	v14 =	vld [tilespmem:s12+$0xF0]  }
0xec: {  	v61 =	vld [tilespmem:s12+$0x120];
	v15 =	vadd.f32 v18, v16;
	v60 =	vadd.f32 v19, v17  }
0xed: {  	v11 =	vadd.f32 v4, v11;
	v10 =	vadd.f32 v10, v13;
	v13 =	vld [tilespmem:s12+$0x130]  }
0xee: {  	v15 =	vadd.f32 v21, v15;
	v16 =	vadd.f32 v22, v60;
	v4 =	vld [tilespmem:s12+$0x160]  }
0xef: {  	v11 =	vadd.f32 v5, v11;
	v10 =	vadd.f32 v6, v10;
	v6 =	vld [tilespmem:s12+$0x170]  }
0xf0: {  	v15 =	vadd.f32 v59, v15;
	v5 =	vld [tilespmem:s12+$0x1A0];
	v14 =	vadd.f32 v14, v16  }
0xf1: {  	v62 =	vadd.f32 v7, v11;
	v63 =	vadd.f32 v8, v10;
	v8 =	vld [tilespmem:s12+$0x1B0]  }
0xf2: {  	v11 =	vadd.f32 v61, v15;
	v7 =	vld [tilespmem:s12+$0x1E0];
	v10 =	vadd.f32 v13, v14  }
0xf3: {  	s9 =	simm.s32 $0x0;
	s11 =	simm.s32 $0xCA00;
	v13 =	vadd.f32 v9, v62;
	v12 =	vadd.f32 v12, v63;
	v9 =	vld [tilespmem:s12+$0x1F0]  }
.LBB2_7:
0xf4: {  	v14 =	vld [tilespmem:s11+$0x1C0];
	v4 =	vadd.f32 v4, v11;
	v6 =	vadd.f32 v6, v10  }
0xf5: {  	v10 =	vld [tilespmem:s11+$0x1D0];
	v11 =	vadd.f32 v2, v13;
	v12 =	vadd.f32 v3, v12  }
0xf6: {  	v2 =	vld [tilespmem:s11+$0x180];
	v4 =	vadd.f32 v5, v4;
	v5 =	vadd.f32 v8, v6  }
0xf7: {  	v3 =	vld [tilespmem:s11+$0x190];
	v6 =	vadd.f32 v0, v11;
	v8 =	vadd.f32 v1, v12  }
0xf8: {  	v12 =	vld [tilespmem:s11+$0x140];
	v4 =	vadd.f32 v7, v4;
	v5 =	vadd.f32 v9, v5  }
0xf9: {  	v9 =	vld [tilespmem:s11+$0x150];
	v0 =	vmov v14  }
0xfa: {  	v7 =	vld [tilespmem:s11+$0x100];
	v1 =	vmov v10  }
0xfb: {  	v10 =	vld [tilespmem:s11+$0x110]  }
0xfc: {  	v11 =	vld [tilespmem:s11+$0xC0]  }
0xfd: {  	v13 =	vld [tilespmem:s11+$0xD0]  }
0xfe: {  	v14 =	vld [tilespmem:s11+$0x80]  }
0xff: {  	v15 =	vld [tilespmem:s11+$0x90]  }
0x100: {  	v16 =	vld [tilespmem:s11+$0x40]  }
0x101: {  	v17 =	vld [tilespmem:s11+$0x50]  }
0x102: {  	v18 =	vld [tilespmem:s11+$0x0]  }
0x103: {  	v19 =	vld [tilespmem:s11+$0x10]  }
0x104: {  	v20 =	vld [tilespmem:s11+$0x20]  }
0x105: {  	s9 =	sadd.s32 $0x8, s9;
	v21 =	vld [tilespmem:s11+$0x30]  }
0x106: {  	p1 =	slt.u32 s9, $0xC0;
	v22 =	vld [tilespmem:s11+$0x60]  }
0x107: {  	v23 =	vld [tilespmem:s11+$0x70]  }
0x108: {  	v24 =	vld [tilespmem:s11+$0xA0]  }
0x109: {  	v6 =	vadd.f32 v18, v6;
	v8 =	vadd.f32 v19, v8;
	v18 =	vld [tilespmem:s11+$0xB0]  }
0x10a: {  	v4 =	vadd.f32 v20, v4;
	v5 =	vadd.f32 v21, v5;
	v19 =	vld [tilespmem:s11+$0xE0]  }
0x10b: {  	v6 =	vadd.f32 v16, v6;
	v8 =	vadd.f32 v17, v8;
	v16 =	vld [tilespmem:s11+$0xF0]  }
0x10c: {  	v4 =	vadd.f32 v22, v4;
	v5 =	vadd.f32 v23, v5;
	v17 =	vld [tilespmem:s11+$0x120]  }
0x10d: {  	v6 =	vadd.f32 v14, v6;
	v8 =	vadd.f32 v15, v8;
	v14 =	vld [tilespmem:s11+$0x130]  }
0x10e: {  	v15 =	vadd.f32 v24, v4;
	v5 =	vadd.f32 v18, v5;
	v4 =	vld [tilespmem:s11+$0x160]  }
.Ltmp4:
0x10f: {  	v11 =	vadd.f32 v11, v6;
	v8 =	vadd.f32 v13, v8;
	v6 =	vld [tilespmem:s11+$0x170];
	(pc) =	sbr.rel @p1 .LBB2_7-.Ltmp4, $4  }
0x110: {  	v13 =	vadd.f32 v19, v15;
	v15 =	vadd.f32 v16, v5;
	v5 =	vld [tilespmem:s11+$0x1A0]  }
0x111: {  	v16 =	vadd.f32 v7, v11;
	v18 =	vadd.f32 v10, v8;
	v8 =	vld [tilespmem:s11+$0x1B0]  }
0x112: {  	v11 =	vadd.f32 v17, v13;
	v10 =	vadd.f32 v14, v15;
	v7 =	vld [tilespmem:s11+$0x1E0]  }
0x113: {  	v13 =	vadd.f32 v12, v16;
	v12 =	vadd.f32 v9, v18;
	v9 =	vld [tilespmem:s11+$0x1F0];
	s11 =	sadd.s32 $0x200, s11  }
0x114: {  	_ = 	snop  }
0x115: {  	v4 =	vadd.f32 v4, v11;
	v2 =	vadd.f32 v2, v13  }
0x116: {  	v6 =	vadd.f32 v6, v10;
	v3 =	vadd.f32 v3, v12  }
0x117: {  	v4 =	vadd.f32 v5, v4;
	v0 =	vadd.f32 v0, v2  }
0x118: {  	v2 =	vadd.f32 v8, v6;
	v1 =	vadd.f32 v1, v3  }
0x119: {  	v3 =	vadd.f32 v7, v4;
	[tilespmem:s1+$0x12C80] =	vst v0  }
0x11a: {  	v0 =	vadd.f32 v9, v2;
	[tilespmem:s1+$0x12C90] =	vst v1  }
0x11b: {  	[tilespmem:s1+$0x12CA0] =	vst v3  }
0x11c: {  	s9 =	sadd.s32 @!p0 $0x4B0, s0;
	s11 =	simm.s32 @!p0 $0x68;
	s12 =	simm.s32 @!p0 $0xC800;
	[tilespmem:s1+$0x12CB0] =	vst v0  }
0x11d: {  	[tilespmem:s12], [sflag:$0x3] =	stream.indirect.gather @!p0 [hbm4b:s3+s11], $0x40, s9, s11, $0xb8;
	[tilespmem:$0x14C00] =	vst v63  }
0x11e: {  	s0 =	sadd.s32 @!p0 $0x518, s0;
	s9 =	simm.s32 @!p0 $0x60;
	s11 =	simm.s32 @!p0 $0xE200  }
0x11f: {  	[tilespmem:s11], [sflag:$0x3] =	stream.indirect.gather @!p0 [hbm4b:s3+s9], $0x40, s0, s9, $0xb8;
	[tilespmem:$0x14C00] =	vst v63  }
0x120: {  	_ =	swait.ge [sflag:s28], $0x1A00  }
0x121: {  	[sflag:s28] =	ssyncset.done $0x0  }
0x122: {  	[sflag:s28] =	ssyncadd.s32 $0xFFFFE600  }
0x123: {  	_ =	swait.ge [sflag:s28], $0x1800  }
0x124: {  	[sflag:s28] =	ssyncset.done $0x0  }
0x125: {  	s12 =	simm.s32 $0xFA00;
	[sflag:s28] =	ssyncadd.s32 $0xFFFFE800  }
0x126: {  	v0 =	vld [tilespmem:s12+$0x1C0]  }
0x127: {  	v1 =	vld [tilespmem:s12+$0x1D0]  }
0x128: {  	v2 =	vld [tilespmem:s12+$0x180]  }
0x129: {  	v3 =	vld [tilespmem:s12+$0x190]  }
0x12a: {  	v9 =	vld [tilespmem:s12+$0x140]  }
0x12b: {  	v12 =	vld [tilespmem:s12+$0x150]  }
0x12c: {  	v7 =	vld [tilespmem:s12+$0x100]  }
0x12d: {  	v8 =	vld [tilespmem:s12+$0x110]  }
0x12e: {  	v5 =	vld [tilespmem:s12+$0xC0]  }
0x12f: {  	v6 =	vld [tilespmem:s12+$0xD0]  }
0x130: {  	v4 =	vld [tilespmem:s12+$0x80]  }
0x131: {  	v10 =	vld [tilespmem:s12+$0x90]  }
0x132: {  	v11 =	vld [tilespmem:s12+$0x40]  }
0x133: {  	v13 =	vld [tilespmem:s12+$0x50]  }
0x134: {  	v14 =	vld [tilespmem:s12+$0x0]  }
0x135: {  	v15 =	vld [tilespmem:s12+$0x10]  }
0x136: {  	v16 =	vld [tilespmem:s12+$0x20]  }
0x137: {  	v17 =	vld [tilespmem:s12+$0x30]  }
0x138: {  	v18 =	vld [tilespmem:s12+$0x60]  }
0x139: {  	v19 =	vld [tilespmem:s12+$0x70]  }
0x13a: {  	v20 =	vimm.f32 $0.0e+00;
	v21 =	vld [tilespmem:s12+$0xA0]  }
0x13b: {  	v22 =	vld [tilespmem:s12+$0xB0];
	v14 =	vadd.f32 v14, v20;
	v15 =	vadd.f32 v15, v20  }
0x13c: {  	v59 =	vld [tilespmem:s12+$0xE0];
	v16 =	vadd.f32 v16, v20;
	v17 =	vadd.f32 v17, v20  }
0x13d: {  	v11 =	vadd.f32 v11, v14;
	v13 =	vadd.f32 v13, v15;
	v14 =	vld [tilespmem:s12+$0xF0]  }
0x13e: {  	v61 =	vld [tilespmem:s12+$0x120];
	v15 =	vadd.f32 v18, v16;
	v60 =	vadd.f32 v19, v17  }
0x13f: {  	v11 =	vadd.f32 v4, v11;
	v10 =	vadd.f32 v10, v13;
	v13 =	vld [tilespmem:s12+$0x130]  }
0x140: {  	v15 =	vadd.f32 v21, v15;
	v16 =	vadd.f32 v22, v60;
	v4 =	vld [tilespmem:s12+$0x160]  }
0x141: {  	v11 =	vadd.f32 v5, v11;
	v10 =	vadd.f32 v6, v10;
	v6 =	vld [tilespmem:s12+$0x170]  }
0x142: {  	v15 =	vadd.f32 v59, v15;
	v5 =	vld [tilespmem:s12+$0x1A0];
	v14 =	vadd.f32 v14, v16  }
0x143: {  	v62 =	vadd.f32 v7, v11;
	v63 =	vadd.f32 v8, v10;
	v8 =	vld [tilespmem:s12+$0x1B0]  }
0x144: {  	v11 =	vadd.f32 v61, v15;
	v7 =	vld [tilespmem:s12+$0x1E0];
	v10 =	vadd.f32 v13, v14  }
0x145: {  	s0 =	simm.s32 $0x0;
	s9 =	simm.s32 $0xFC00;
	v13 =	vadd.f32 v9, v62;
	v12 =	vadd.f32 v12, v63;
	v9 =	vld [tilespmem:s12+$0x1F0]  }
.LBB2_9:
0x146: {  	v14 =	vld [tilespmem:s9+$0x1C0];
	v4 =	vadd.f32 v4, v11;
	v6 =	vadd.f32 v6, v10  }
0x147: {  	v10 =	vld [tilespmem:s9+$0x1D0];
	v11 =	vadd.f32 v2, v13;
	v12 =	vadd.f32 v3, v12  }
0x148: {  	v2 =	vld [tilespmem:s9+$0x180];
	v4 =	vadd.f32 v5, v4;
	v5 =	vadd.f32 v8, v6  }
0x149: {  	v3 =	vld [tilespmem:s9+$0x190];
	v6 =	vadd.f32 v0, v11;
	v8 =	vadd.f32 v1, v12  }
0x14a: {  	v12 =	vld [tilespmem:s9+$0x140];
	v4 =	vadd.f32 v7, v4;
	v5 =	vadd.f32 v9, v5  }
0x14b: {  	v9 =	vld [tilespmem:s9+$0x150];
	v0 =	vmov v14  }
0x14c: {  	v7 =	vld [tilespmem:s9+$0x100];
	v1 =	vmov v10  }
0x14d: {  	v10 =	vld [tilespmem:s9+$0x110]  }
0x14e: {  	v11 =	vld [tilespmem:s9+$0xC0]  }
0x14f: {  	v13 =	vld [tilespmem:s9+$0xD0]  }
0x150: {  	v14 =	vld [tilespmem:s9+$0x80]  }
0x151: {  	v15 =	vld [tilespmem:s9+$0x90]  }
0x152: {  	v16 =	vld [tilespmem:s9+$0x40]  }
0x153: {  	v17 =	vld [tilespmem:s9+$0x50]  }
0x154: {  	v18 =	vld [tilespmem:s9+$0x0]  }
0x155: {  	v19 =	vld [tilespmem:s9+$0x10]  }
0x156: {  	v20 =	vld [tilespmem:s9+$0x20]  }
0x157: {  	s0 =	sadd.s32 $0x8, s0;
	v21 =	vld [tilespmem:s9+$0x30]  }
0x158: {  	p1 =	slt.u32 s0, $0xC0;
	v22 =	vld [tilespmem:s9+$0x60]  }
0x159: {  	v23 =	vld [tilespmem:s9+$0x70]  }
0x15a: {  	v24 =	vld [tilespmem:s9+$0xA0]  }
0x15b: {  	v6 =	vadd.f32 v18, v6;
	v8 =	vadd.f32 v19, v8;
	v18 =	vld [tilespmem:s9+$0xB0]  }
0x15c: {  	v4 =	vadd.f32 v20, v4;
	v5 =	vadd.f32 v21, v5;
	v19 =	vld [tilespmem:s9+$0xE0]  }
0x15d: {  	v6 =	vadd.f32 v16, v6;
	v8 =	vadd.f32 v17, v8;
	v16 =	vld [tilespmem:s9+$0xF0]  }
0x15e: {  	v4 =	vadd.f32 v22, v4;
	v5 =	vadd.f32 v23, v5;
	v17 =	vld [tilespmem:s9+$0x120]  }
0x15f: {  	v6 =	vadd.f32 v14, v6;
	v8 =	vadd.f32 v15, v8;
	v14 =	vld [tilespmem:s9+$0x130]  }
0x160: {  	v15 =	vadd.f32 v24, v4;
	v5 =	vadd.f32 v18, v5;
	v4 =	vld [tilespmem:s9+$0x160]  }
.Ltmp5:
0x161: {  	v11 =	vadd.f32 v11, v6;
	v8 =	vadd.f32 v13, v8;
	v6 =	vld [tilespmem:s9+$0x170];
	(pc) =	sbr.rel @p1 .LBB2_9-.Ltmp5, $4  }
0x162: {  	v13 =	vadd.f32 v19, v15;
	v15 =	vadd.f32 v16, v5;
	v5 =	vld [tilespmem:s9+$0x1A0]  }
0x163: {  	v16 =	vadd.f32 v7, v11;
	v18 =	vadd.f32 v10, v8;
	v8 =	vld [tilespmem:s9+$0x1B0]  }
0x164: {  	v11 =	vadd.f32 v17, v13;
	v10 =	vadd.f32 v14, v15;
	v7 =	vld [tilespmem:s9+$0x1E0]  }
0x165: {  	v13 =	vadd.f32 v12, v16;
	v12 =	vadd.f32 v9, v18;
	v9 =	vld [tilespmem:s9+$0x1F0];
	s9 =	sadd.s32 $0x200, s9  }
0x166: {  	_ = 	snop  }
0x167: {  	v4 =	vadd.f32 v4, v11;
	v2 =	vadd.f32 v2, v13  }
0x168: {  	v6 =	vadd.f32 v6, v10;
	v3 =	vadd.f32 v3, v12  }
0x169: {  	v4 =	vadd.f32 v5, v4;
	v0 =	vadd.f32 v0, v2  }
.Ltmp6:
0x16a: {  	v61 =	vadd.f32 v8, v6;
	v1 =	vadd.f32 v1, v3;
	(pc) =	sbr.rel @p0 .LBB2_12-.Ltmp6, $4  }
0x16b: {  	v62 =	vadd.f32 v7, v4;
	[tilespmem:s1+$0x12CC0] =	vst v0  }
0x16c: {  	v63 =	vadd.f32 v9, v61;
	[tilespmem:s1+$0x12CD0] =	vst v1  }
0x16d: {  	[tilespmem:s1+$0x12CE0] =	vst v62  }
0x16e: {  	[tilespmem:s1+$0x12CF0] =	vst v63  }
0x16f: {  	s0 =	smul.u32 $0xC80, s31;
	_ =	sdelay $0x1  }
.Ltmp7:
0x170: {  	s0 =	sshra.s32 s0, $0x2;
	(pc) =	sbr.rel .LBB2_2-.Ltmp7, $4  }
0x171: {  	s1 =	sadd.s32 $0x578, s0  }
0x172: {  	[tilespmem:s21], [sflag:$0x4] =	stream.indirect.gather [hbm4b:s3+s8], $0x40, s1, s8, $0xb8;
	[tilespmem:$0x14C00] =	vst v63  }
0x173: {  	s31 =	sadd.s32 $0x1, s31;
	s0 =	sadd.s32 $0x5E0, s0  }
0x174: {  	[tilespmem:s23], [sflag:$0x4] =	stream.indirect.gather [hbm4b:s3+s10], $0x40, s0, s10, $0xb8;
	[tilespmem:$0x14C00] =	vst v63  }
.LBB2_13:
0x175: {  	_ =	sfence.sel $0x180000  }
0x176: {  	[bflag:$0x0] =	sbarrier.arrive $0xFFFF  }
0x177: {  	_ =	strace $0x90000047  }
0x178: {  	s0 =	stileid.u32;
	[bflag:$0x2] =	sbarrier.arrive $0xFFFF  }
0x179: {  	p0 =	sne.s32 s0, $0x0;
	s0 =	rddreg [dreg:$0x1]  }
0x17a: {  	s0 =	sadd.s32 @!p0 $0x100000, s0  }
0x17b: {  	[sflag:s0] =	ssyncadd.tile.s32 @!p0 $0x1;
	_ =	shalt  }
.Lfunc_end2:
_tile_overlayer_lowered:
.L_overlay_start_2:
0x17c: {  	(tag) =	ssettag $0x2  }
0x17d: {  	s0 =	rddreg [dreg:$0x0];
	s2 =	stileid.u32  }
0x17e: {  	s1 =	rddreg [dreg:$0x1];
	p0 =	sne.s32 s2, $0x0  }
0x17f: {  	s3 =	rddreg [dreg:$0x2];
	[bflag:$0x3] =	sbarrier.arrive $0xFFFF;
	s2 =	simm.s32 @!p0 $0x1C05  }
0x180: {  	[timem:s3], [sflag:s2] =	dma.local @!p0 [hbm:s0], s1  }
0x181: {  	s0 =	simm.s32 @!p0 $0x5  }
0x182: {  	_ =	swait.ge @!p0 [sflag:s0], s1  }
0x183: {  	s1 =	ssub.s32 @!p0 $0x0, s1;
	[sflag:s0] =	ssyncset.done @!p0 $0x0  }
0x184: {  	[sflag:s0] =	ssyncadd.s32 @!p0 s1  }
0x185: {  	[bflag:$0x3] =	sbarrier.arrive $0xFFFF  }
0x186: {  	_ =	shalt  }

</sc_bundles>
